<compile_context>
chip_gen: v7x
topology: tpu7x:2x2x1
jax: 0.10.2.dev20260603
libtpu: 0.0.44.dev20260713+nightly
codegen_flags: <defaults>
</compile_context>

<pallas_src>
import functools

import jax
import jax.numpy as jnp
from jax import lax
from jax.experimental import pallas as pl
from jax.experimental.pallas import tpu as pltpu, tpu_sc as plsc


def _make_lookup(V, D, B):
    info = plsc.get_sparse_core_info()
    NC, NS, L = info.num_cores, info.num_subcores, info.num_lanes
    NW = NC * NS
    assert B % (8 * NW) == 0 and D == 32
    b_per_w = B // NW
    C = 8
    n_pairs = b_per_w // (2 * C)
    mesh = plsc.VectorSubcoreMesh(core_axis_name="c", subcore_axis_name="s")

    @functools.partial(
        pl.kernel,
        mesh=mesh,
        out_type=jax.ShapeDtypeStruct((D, B), jnp.float32),
        scratch_types=[
            pltpu.VMEM((b_per_w,), jnp.int32),
            pltpu.VMEM((C * D, 128), jnp.float32),
            pltpu.VMEM((C * D, 128), jnp.float32),
            pltpu.VMEM((D, b_per_w), jnp.float32),
            pltpu.SemaphoreType.DMA,
            pltpu.SemaphoreType.DMA,
        ],
        compiler_params=pltpu.CompilerParams(needs_layout_passes=False),
    )
    def k(tt_hbm, idx_hbm, out_t_hbm, idx_v, blk0, blk1, out_t, sem0, sem1):
        wid = lax.axis_index("s") * NC + lax.axis_index("c")
        base = wid * b_per_w
        pltpu.sync_copy(idx_hbm.at[pl.ds(base, b_per_w)], idx_v)

        iota = lax.iota(jnp.int32, L)

        def fire(iv, half, blk, sem):
            for j in range(C):
                lab = iv[half * C + j]
                q = lax.shift_left(lax.shift_right_logical(lab, 7), 7)
                pltpu.async_copy(
                    tt_hbm.at[:, pl.ds(pl.multiple_of(q, 128), 128)],
                    blk.at[pl.ds(j * D, D)],
                    sem,
                )

        def drain_extract(iv, half, chunk_id, blk, sem):
            for j in range(C):
                pltpu.make_async_copy(
                    tt_hbm.at[:, pl.ds(0, 128)], blk.at[pl.ds(j * D, D)], sem
                ).wait()
            for j in range(C):
                lab = iv[half * C + j]
                rem = jnp.full((L,), lab & 127, jnp.int32)
                col = chunk_id * C + j
                for h in range(D // L):
                    rows = (j * D + h * L) + iota
                    vals = plsc.load_gather(blk, [rows, rem])
                    plsc.store_scatter(
                        out_t,
                        [h * L + iota, jnp.full((L,), col, jnp.int32)],
                        vals,
                    )

        iv0 = idx_v[pl.ds(0, L)]
        fire(iv0, 0, blk0, sem0)

        def pair(p, carry):
            iv = idx_v[pl.ds(p * 2 * C, L)]
            fire(iv, 1, blk1, sem1)
            drain_extract(iv, 0, p * 2, blk0, sem0)

            @pl.when(p < n_pairs - 1)
            def _fire_next():
                ivn = idx_v[pl.ds((p + 1) * 2 * C, L)]
                fire(ivn, 0, blk0, sem0)

            drain_extract(iv, 1, p * 2 + 1, blk1, sem1)
            return carry

        lax.fori_loop(0, n_pairs, pair, 0)
        pltpu.sync_copy(
            out_t, out_t_hbm.at[:, pl.ds(pl.multiple_of(base, 128), b_per_w)]
        )

    return k


def kernel(labels, embed_table):
    B = labels.shape[0]
    V, D = embed_table.shape
    lookup = _make_lookup(V, D, B)
    out_t = lookup(embed_table.T, labels.astype(jnp.int32))
    return out_t.T

# --- scband reference (transcript-rebuilt; emitter-appended) ---
"""Pipeline reference for scband-label-embedder-38826504356595 (READ-ONLY COPY).

The authoritative reference and input builder live on the scoring server;
editing this copy changes nothing except your own understanding.
"""

import jax, jax.numpy as jnp
import numpy as np

NUM_CLASSES = 1000000
EMBED_DIM = 32
BATCH = 16384

def setup_inputs(seed: int = 0) -> dict:
    key = jax.random.key(seed)
    k_idx, k_tab = jax.random.split(key)
    labels = jax.random.randint(k_idx, (BATCH,), 0, NUM_CLASSES, dtype=jnp.int64 if jax.config.jax_enable_x64 else jnp.int32)
    embed_table = jax.random.normal(k_tab, (NUM_CLASSES, EMBED_DIM), dtype=jnp.float32)
    return {"labels": labels, "embed_table": embed_table}

def reference(labels, embed_table):
    # nn.Embedding forward: gather rows of the table by index
    return jnp.take(embed_table, labels, axis=0)

if __name__ == "__main__":
    import jax
    _d = setup_inputs()
    print(jax.jit(kernel)(*tuple(_d.values())))

</pallas_src>

<mosaic_0001>
#map = affine_map<(d0, d1) -> (0, 0)>
#map1 = affine_map<(d0, d1) -> (0)>
module attributes {stable_mosaic.version = 14 : i64} {
  func.func @k(%arg0: i32, %arg1: i32, %arg2: memref<32x1000000xf32, #tpu.memory_space<hbm>>, %arg3: memref<16384xi32, #tpu.memory_space<hbm>>, %arg4: memref<32x16384xf32, #tpu.memory_space<hbm>>, %arg5: memref<512xi32, #tpu.memory_space<vmem>>, %arg6: memref<256x128xf32, #tpu.memory_space<vmem>>, %arg7: memref<256x128xf32, #tpu.memory_space<vmem>>, %arg8: memref<32x512xf32, #tpu.memory_space<vmem>>, %arg9: memref<!tpu.dma_semaphore, #tpu.memory_space<semaphore_mem>>, %arg10: memref<!tpu.dma_semaphore, #tpu.memory_space<semaphore_mem>>) attributes {dimension_semantics = [#tpu.dimension_semantics<core_parallel>, #tpu.dimension_semantics<subcore_parallel>], iteration_bounds = array<i64: 2, 16>, scalar_prefetch = 0 : i64, scratch_operands = 6 : i64, tpu.core_type = #tpu.core_type<sc_vector_subcore>, window_params = [{transform_indices = #map}, {transform_indices = #map1}, {transform_indices = #map}]} {
    %mul3A = arith.constant 2 : i32
    %mul3A_0 = arith.muli %arg1, %mul3A : i32
    %add3A = arith.addi %mul3A_0, %arg0 : i32
    %mul3A_1 = arith.constant 512 : i32
    %mul3A_2 = arith.muli %add3A, %mul3A_1 : i32
    "tpu.region"() ({
      %run_scoped3A = tpu.sem_alloc : memref<!tpu.dma_semaphore, #tpu.memory_space<semaphore_mem>>
      %dma_start3A_140 = tpu.memref_slice %arg3[%mul3A_2] : memref<16384xi32, #tpu.memory_space<hbm>> -> memref<512xi32, #tpu.memory_space<hbm>>
      %dma_start3A_141 = tpu.memref_slice %arg3[%mul3A_2] : memref<16384xi32, #tpu.memory_space<hbm>> -> memref<512xi32, #tpu.memory_space<hbm>>
      tpu.enqueue_dma source(%dma_start3A_141 : memref<512xi32, #tpu.memory_space<hbm>>) target(%arg5 : memref<512xi32, #tpu.memory_space<vmem>>) target_semaphore(%run_scoped3A : memref<!tpu.dma_semaphore, #tpu.memory_space<semaphore_mem>>)
      %dma_wait3A = tpu.memref_slice %arg3[%mul3A_2] : memref<16384xi32, #tpu.memory_space<hbm>> -> memref<512xi32, #tpu.memory_space<hbm>>
      %dma_wait3A_142 = tpu.memref_slice %arg3[%mul3A_2] : memref<16384xi32, #tpu.memory_space<hbm>> -> memref<512xi32, #tpu.memory_space<hbm>>
      tpu.wait_dma2 semaphore(%run_scoped3A : memref<!tpu.dma_semaphore, #tpu.memory_space<semaphore_mem>>) src(%dma_wait3A_142 : memref<512xi32, #tpu.memory_space<hbm>>) dst(%arg5 : memref<512xi32, #tpu.memory_space<vmem>>)
      tpu.yield
    }) : () -> ()
    %iota3A = tpu.iota {dimensions = array<i32: 0>} : vector<16xi32>
    %get3A = arith.constant 0 : index
    %get3A_3 = tpu.vector_load %arg5[%get3A] {strides = array<i32>} : memref<512xi32, #tpu.memory_space<vmem>>, vector<16xi32>,
    %slice3A = vector.extract_strided_slice %get3A_3 {offsets = [0], sizes = [1], strides = [1]} : vector<16xi32> to vector<1xi32>
    %squeeze3A = vector.extract %slice3A[0] : i32 from vector<1xi32>
    %shift_right_logical3A = arith.constant 7 : i32
    %shift_right_logical3A_4 = arith.shrui %squeeze3A, %shift_right_logical3A : i32
    %shift_left3A = arith.constant 7 : i32
    %shift_left3A_5 = arith.shli %shift_right_logical3A_4, %shift_left3A : i32
    %multiple_of3A = tpu.assume_multiple %shift_left3A_5, 128 : i32
    %dma_start3A = arith.constant 0 : i32
    %dma_start3A_6 = arith.constant 0 : i32
    %dma_start3A_7 = tpu.memref_slice %arg6[%dma_start3A, %dma_start3A_6] : memref<256x128xf32, #tpu.memory_space<vmem>> -> memref<32x128xf32, #tpu.memory_space<vmem>>
    %dma_start3A_8 = arith.constant 0 : i32
    %dma_start3A_9 = tpu.memref_slice %arg2[%dma_start3A_8, %multiple_of3A] : memref<32x1000000xf32, #tpu.memory_space<hbm>> -> memref<32x128xf32, #tpu.memory_space<hbm>>
    %dma_start3A_10 = arith.constant 0 : i32
    %dma_start3A_11 = arith.constant 0 : i32
    %dma_start3A_12 = tpu.memref_slice %arg6[%dma_start3A_10, %dma_start3A_11] : memref<256x128xf32, #tpu.memory_space<vmem>> -> memref<32x128xf32, #tpu.memory_space<vmem>>
    %dma_start3A_13 = arith.constant 0 : i32
    %dma_start3A_14 = tpu.memref_slice %arg2[%dma_start3A_13, %multiple_of3A] : memref<32x1000000xf32, #tpu.memory_space<hbm>> -> memref<32x128xf32, #tpu.memory_space<hbm>>
    tpu.enqueue_dma source(%dma_start3A_14 : memref<32x128xf32, #tpu.memory_space<hbm>>) target(%dma_start3A_12 : memref<32x128xf32, #tpu.memory_space<vmem>>) target_semaphore(%arg9 : memref<!tpu.dma_semaphore, #tpu.memory_space<semaphore_mem>>)
    %slice3A_15 = vector.extract_strided_slice %get3A_3 {offsets = [1], sizes = [1], strides = [1]} : vector<16xi32> to vector<1xi32>
    %squeeze3A_16 = vector.extract %slice3A_15[0] : i32 from vector<1xi32>
    %shift_right_logical3A_17 = arith.constant 7 : i32
    %shift_right_logical3A_18 = arith.shrui %squeeze3A_16, %shift_right_logical3A_17 : i32
    %shift_left3A_19 = arith.constant 7 : i32
    %shift_left3A_20 = arith.shli %shift_right_logical3A_18, %shift_left3A_19 : i32
    %multiple_of3A_21 = tpu.assume_multiple %shift_left3A_20, 128 : i32
    %dma_start3A_22 = arith.constant 32 : i32
    %dma_start3A_23 = arith.constant 0 : i32
    %dma_start3A_24 = tpu.memref_slice %arg6[%dma_start3A_22, %dma_start3A_23] : memref<256x128xf32, #tpu.memory_space<vmem>> -> memref<32x128xf32, #tpu.memory_space<vmem>>
    %dma_start3A_25 = arith.constant 0 : i32
    %dma_start3A_26 = tpu.memref_slice %arg2[%dma_start3A_25, %multiple_of3A_21] : memref<32x1000000xf32, #tpu.memory_space<hbm>> -> memref<32x128xf32, #tpu.memory_space<hbm>>
    %dma_start3A_27 = arith.constant 32 : i32
    %dma_start3A_28 = arith.constant 0 : i32
    %dma_start3A_29 = tpu.memref_slice %arg6[%dma_start3A_27, %dma_start3A_28] : memref<256x128xf32, #tpu.memory_space<vmem>> -> memref<32x128xf32, #tpu.memory_space<vmem>>
    %dma_start3A_30 = arith.constant 0 : i32
    %dma_start3A_31 = tpu.memref_slice %arg2[%dma_start3A_30, %multiple_of3A_21] : memref<32x1000000xf32, #tpu.memory_space<hbm>> -> memref<32x128xf32, #tpu.memory_space<hbm>>
    tpu.enqueue_dma source(%dma_start3A_31 : memref<32x128xf32, #tpu.memory_space<hbm>>) target(%dma_start3A_29 : memref<32x128xf32, #tpu.memory_space<vmem>>) target_semaphore(%arg9 : memref<!tpu.dma_semaphore, #tpu.memory_space<semaphore_mem>>)
    %slice3A_32 = vector.extract_strided_slice %get3A_3 {offsets = [2], sizes = [1], strides = [1]} : vector<16xi32> to vector<1xi32>
    %squeeze3A_33 = vector.extract %slice3A_32[0] : i32 from vector<1xi32>
    %shift_right_logical3A_34 = arith.constant 7 : i32
    %shift_right_logical3A_35 = arith.shrui %squeeze3A_33, %shift_right_logical3A_34 : i32
    %shift_left3A_36 = arith.constant 7 : i32
    %shift_left3A_37 = arith.shli %shift_right_logical3A_35, %shift_left3A_36 : i32
    %multiple_of3A_38 = tpu.assume_multiple %shift_left3A_37, 128 : i32
    %dma_start3A_39 = arith.constant 64 : i32
    %dma_start3A_40 = arith.constant 0 : i32
    %dma_start3A_41 = tpu.memref_slice %arg6[%dma_start3A_39, %dma_start3A_40] : memref<256x128xf32, #tpu.memory_space<vmem>> -> memref<32x128xf32, #tpu.memory_space<vmem>>
    %dma_start3A_42 = arith.constant 0 : i32
    %dma_start3A_43 = tpu.memref_slice %arg2[%dma_start3A_42, %multiple_of3A_38] : memref<32x1000000xf32, #tpu.memory_space<hbm>> -> memref<32x128xf32, #tpu.memory_space<hbm>>
    %dma_start3A_44 = arith.constant 64 : i32
    %dma_start3A_45 = arith.constant 0 : i32
    %dma_start3A_46 = tpu.memref_slice %arg6[%dma_start3A_44, %dma_start3A_45] : memref<256x128xf32, #tpu.memory_space<vmem>> -> memref<32x128xf32, #tpu.memory_space<vmem>>
    %dma_start3A_47 = arith.constant 0 : i32
    %dma_start3A_48 = tpu.memref_slice %arg2[%dma_start3A_47, %multiple_of3A_38] : memref<32x1000000xf32, #tpu.memory_space<hbm>> -> memref<32x128xf32, #tpu.memory_space<hbm>>
    tpu.enqueue_dma source(%dma_start3A_48 : memref<32x128xf32, #tpu.memory_space<hbm>>) target(%dma_start3A_46 : memref<32x128xf32, #tpu.memory_space<vmem>>) target_semaphore(%arg9 : memref<!tpu.dma_semaphore, #tpu.memory_space<semaphore_mem>>)
    %slice3A_49 = vector.extract_strided_slice %get3A_3 {offsets = [3], sizes = [1], strides = [1]} : vector<16xi32> to vector<1xi32>
    %squeeze3A_50 = vector.extract %slice3A_49[0] : i32 from vector<1xi32>
    %shift_right_logical3A_51 = arith.constant 7 : i32
    %shift_right_logical3A_52 = arith.shrui %squeeze3A_50, %shift_right_logical3A_51 : i32
    %shift_left3A_53 = arith.constant 7 : i32
    %shift_left3A_54 = arith.shli %shift_right_logical3A_52, %shift_left3A_53 : i32
    %multiple_of3A_55 = tpu.assume_multiple %shift_left3A_54, 128 : i32
    %dma_start3A_56 = arith.constant 96 : i32
    %dma_start3A_57 = arith.constant 0 : i32
    %dma_start3A_58 = tpu.memref_slice %arg6[%dma_start3A_56, %dma_start3A_57] : memref<256x128xf32, #tpu.memory_space<vmem>> -> memref<32x128xf32, #tpu.memory_space<vmem>>
    %dma_start3A_59 = arith.constant 0 : i32
    %dma_start3A_60 = tpu.memref_slice %arg2[%dma_start3A_59, %multiple_of3A_55] : memref<32x1000000xf32, #tpu.memory_space<hbm>> -> memref<32x128xf32, #tpu.memory_space<hbm>>
    %dma_start3A_61 = arith.constant 96 : i32
    %dma_start3A_62 = arith.constant 0 : i32
    %dma_start3A_63 = tpu.memref_slice %arg6[%dma_start3A_61, %dma_start3A_62] : memref<256x128xf32, #tpu.memory_space<vmem>> -> memref<32x128xf32, #tpu.memory_space<vmem>>
    %dma_start3A_64 = arith.constant 0 : i32
    %dma_start3A_65 = tpu.memref_slice %arg2[%dma_start3A_64, %multiple_of3A_55] : memref<32x1000000xf32, #tpu.memory_space<hbm>> -> memref<32x128xf32, #tpu.memory_space<hbm>>
    tpu.enqueue_dma source(%dma_start3A_65 : memref<32x128xf32, #tpu.memory_space<hbm>>) target(%dma_start3A_63 : memref<32x128xf32, #tpu.memory_space<vmem>>) target_semaphore(%arg9 : memref<!tpu.dma_semaphore, #tpu.memory_space<semaphore_mem>>)
    %slice3A_66 = vector.extract_strided_slice %get3A_3 {offsets = [4], sizes = [1], strides = [1]} : vector<16xi32> to vector<1xi32>
    %squeeze3A_67 = vector.extract %slice3A_66[0] : i32 from vector<1xi32>
    %shift_right_logical3A_68 = arith.constant 7 : i32
    %shift_right_logical3A_69 = arith.shrui %squeeze3A_67, %shift_right_logical3A_68 : i32
    %shift_left3A_70 = arith.constant 7 : i32
    %shift_left3A_71 = arith.shli %shift_right_logical3A_69, %shift_left3A_70 : i32
    %multiple_of3A_72 = tpu.assume_multiple %shift_left3A_71, 128 : i32
    %dma_start3A_73 = arith.constant 128 : i32
    %dma_start3A_74 = arith.constant 0 : i32
    %dma_start3A_75 = tpu.memref_slice %arg6[%dma_start3A_73, %dma_start3A_74] : memref<256x128xf32, #tpu.memory_space<vmem>> -> memref<32x128xf32, #tpu.memory_space<vmem>>
    %dma_start3A_76 = arith.constant 0 : i32
    %dma_start3A_77 = tpu.memref_slice %arg2[%dma_start3A_76, %multiple_of3A_72] : memref<32x1000000xf32, #tpu.memory_space<hbm>> -> memref<32x128xf32, #tpu.memory_space<hbm>>
    %dma_start3A_78 = arith.constant 128 : i32
    %dma_start3A_79 = arith.constant 0 : i32
    %dma_start3A_80 = tpu.memref_slice %arg6[%dma_start3A_78, %dma_start3A_79] : memref<256x128xf32, #tpu.memory_space<vmem>> -> memref<32x128xf32, #tpu.memory_space<vmem>>
    %dma_start3A_81 = arith.constant 0 : i32
    %dma_start3A_82 = tpu.memref_slice %arg2[%dma_start3A_81, %multiple_of3A_72] : memref<32x1000000xf32, #tpu.memory_space<hbm>> -> memref<32x128xf32, #tpu.memory_space<hbm>>
    tpu.enqueue_dma source(%dma_start3A_82 : memref<32x128xf32, #tpu.memory_space<hbm>>) target(%dma_start3A_80 : memref<32x128xf32, #tpu.memory_space<vmem>>) target_semaphore(%arg9 : memref<!tpu.dma_semaphore, #tpu.memory_space<semaphore_mem>>)
    %slice3A_83 = vector.extract_strided_slice %get3A_3 {offsets = [5], sizes = [1], strides = [1]} : vector<16xi32> to vector<1xi32>
    %squeeze3A_84 = vector.extract %slice3A_83[0] : i32 from vector<1xi32>
    %shift_right_logical3A_85 = arith.constant 7 : i32
    %shift_right_logical3A_86 = arith.shrui %squeeze3A_84, %shift_right_logical3A_85 : i32
    %shift_left3A_87 = arith.constant 7 : i32
    %shift_left3A_88 = arith.shli %shift_right_logical3A_86, %shift_left3A_87 : i32
    %multiple_of3A_89 = tpu.assume_multiple %shift_left3A_88, 128 : i32
    %dma_start3A_90 = arith.constant 160 : i32
    %dma_start3A_91 = arith.constant 0 : i32
    %dma_start3A_92 = tpu.memref_slice %arg6[%dma_start3A_90, %dma_start3A_91] : memref<256x128xf32, #tpu.memory_space<vmem>> -> memref<32x128xf32, #tpu.memory_space<vmem>>
    %dma_start3A_93 = arith.constant 0 : i32
    %dma_start3A_94 = tpu.memref_slice %arg2[%dma_start3A_93, %multiple_of3A_89] : memref<32x1000000xf32, #tpu.memory_space<hbm>> -> memref<32x128xf32, #tpu.memory_space<hbm>>
    %dma_start3A_95 = arith.constant 160 : i32
    %dma_start3A_96 = arith.constant 0 : i32
    %dma_start3A_97 = tpu.memref_slice %arg6[%dma_start3A_95, %dma_start3A_96] : memref<256x128xf32, #tpu.memory_space<vmem>> -> memref<32x128xf32, #tpu.memory_space<vmem>>
    %dma_start3A_98 = arith.constant 0 : i32
    %dma_start3A_99 = tpu.memref_slice %arg2[%dma_start3A_98, %multiple_of3A_89] : memref<32x1000000xf32, #tpu.memory_space<hbm>> -> memref<32x128xf32, #tpu.memory_space<hbm>>
    tpu.enqueue_dma source(%dma_start3A_99 : memref<32x128xf32, #tpu.memory_space<hbm>>) target(%dma_start3A_97 : memref<32x128xf32, #tpu.memory_space<vmem>>) target_semaphore(%arg9 : memref<!tpu.dma_semaphore, #tpu.memory_space<semaphore_mem>>)
    %slice3A_100 = vector.extract_strided_slice %get3A_3 {offsets = [6], sizes = [1], strides = [1]} : vector<16xi32> to vector<1xi32>
    %squeeze3A_101 = vector.extract %slice3A_100[0] : i32 from vector<1xi32>
    %shift_right_logical3A_102 = arith.constant 7 : i32
    %shift_right_logical3A_103 = arith.shrui %squeeze3A_101, %shift_right_logical3A_102 : i32
    %shift_left3A_104 = arith.constant 7 : i32
    %shift_left3A_105 = arith.shli %shift_right_logical3A_103, %shift_left3A_104 : i32
    %multiple_of3A_106 = tpu.assume_multiple %shift_left3A_105, 128 : i32
    %dma_start3A_107 = arith.constant 192 : i32
    %dma_start3A_108 = arith.constant 0 : i32
    %dma_start3A_109 = tpu.memref_slice %arg6[%dma_start3A_107, %dma_start3A_108] : memref<256x128xf32, #tpu.memory_space<vmem>> -> memref<32x128xf32, #tpu.memory_space<vmem>>
    %dma_start3A_110 = arith.constant 0 : i32
    %dma_start3A_111 = tpu.memref_slice %arg2[%dma_start3A_110, %multiple_of3A_106] : memref<32x1000000xf32, #tpu.memory_space<hbm>> -> memref<32x128xf32, #tpu.memory_space<hbm>>
    %dma_start3A_112 = arith.constant 192 : i32
    %dma_start3A_113 = arith.constant 0 : i32
    %dma_start3A_114 = tpu.memref_slice %arg6[%dma_start3A_112, %dma_start3A_113] : memref<256x128xf32, #tpu.memory_space<vmem>> -> memref<32x128xf32, #tpu.memory_space<vmem>>
    %dma_start3A_115 = arith.constant 0 : i32
    %dma_start3A_116 = tpu.memref_slice %arg2[%dma_start3A_115, %multiple_of3A_106] : memref<32x1000000xf32, #tpu.memory_space<hbm>> -> memref<32x128xf32, #tpu.memory_space<hbm>>
    tpu.enqueue_dma source(%dma_start3A_116 : memref<32x128xf32, #tpu.memory_space<hbm>>) target(%dma_start3A_114 : memref<32x128xf32, #tpu.memory_space<vmem>>) target_semaphore(%arg9 : memref<!tpu.dma_semaphore, #tpu.memory_space<semaphore_mem>>)
    %slice3A_117 = vector.extract_strided_slice %get3A_3 {offsets = [7], sizes = [1], strides = [1]} : vector<16xi32> to vector<1xi32>
    %squeeze3A_118 = vector.extract %slice3A_117[0] : i32 from vector<1xi32>
    %shift_right_logical3A_119 = arith.constant 7 : i32
    %shift_right_logical3A_120 = arith.shrui %squeeze3A_118, %shift_right_logical3A_119 : i32
    %shift_left3A_121 = arith.constant 7 : i32
    %shift_left3A_122 = arith.shli %shift_right_logical3A_120, %shift_left3A_121 : i32
    %multiple_of3A_123 = tpu.assume_multiple %shift_left3A_122, 128 : i32
    %dma_start3A_124 = arith.constant 224 : i32
    %dma_start3A_125 = arith.constant 0 : i32
    %dma_start3A_126 = tpu.memref_slice %arg6[%dma_start3A_124, %dma_start3A_125] : memref<256x128xf32, #tpu.memory_space<vmem>> -> memref<32x128xf32, #tpu.memory_space<vmem>>
    %dma_start3A_127 = arith.constant 0 : i32
    %dma_start3A_128 = tpu.memref_slice %arg2[%dma_start3A_127, %multiple_of3A_123] : memref<32x1000000xf32, #tpu.memory_space<hbm>> -> memref<32x128xf32, #tpu.memory_space<hbm>>
    %dma_start3A_129 = arith.constant 224 : i32
    %dma_start3A_130 = arith.constant 0 : i32
    %dma_start3A_131 = tpu.memref_slice %arg6[%dma_start3A_129, %dma_start3A_130] : memref<256x128xf32, #tpu.memory_space<vmem>> -> memref<32x128xf32, #tpu.memory_space<vmem>>
    %dma_start3A_132 = arith.constant 0 : i32
    %dma_start3A_133 = tpu.memref_slice %arg2[%dma_start3A_132, %multiple_of3A_123] : memref<32x1000000xf32, #tpu.memory_space<hbm>> -> memref<32x128xf32, #tpu.memory_space<hbm>>
    tpu.enqueue_dma source(%dma_start3A_133 : memref<32x128xf32, #tpu.memory_space<hbm>>) target(%dma_start3A_131 : memref<32x128xf32, #tpu.memory_space<vmem>>) target_semaphore(%arg9 : memref<!tpu.dma_semaphore, #tpu.memory_space<semaphore_mem>>)
    %scan3A = arith.constant 0 : i32
    %scan3A_134 = arith.constant 0 : i32
    %scan3A_135 = arith.constant 32 : i32
    %scan3A_136 = arith.addi %scan3A_134, %scan3A_135 : i32
    %scan3A_137 = arith.constant 1 : i32
    scf.for %scan3A_140 = %scan3A_134 to %scan3A_136 step %scan3A_137  : i32 {
      %mul3A_141 = arith.constant 2 : i32
      %mul3A_142 = arith.muli %scan3A_140, %mul3A_141 : i32
      %mul3A_143 = arith.constant 8 : i32
      %mul3A_144 = arith.muli %mul3A_142, %mul3A_143 : i32
      %get3A_145 = arith.index_cast %mul3A_144 : i32 to index
      %get3A_146 = tpu.vector_load %arg5[%get3A_145] {strides = array<i32>} : memref<512xi32, #tpu.memory_space<vmem>>, vector<16xi32>,
      %slice3A_147 = vector.extract_strided_slice %get3A_146 {offsets = [8], sizes = [1], strides = [1]} : vector<16xi32> to vector<1xi32>
      %squeeze3A_148 = vector.extract %slice3A_147[0] : i32 from vector<1xi32>
      %shift_right_logical3A_149 = arith.constant 7 : i32
      %shift_right_logical3A_150 = arith.shrui %squeeze3A_148, %shift_right_logical3A_149 : i32
      %shift_left3A_151 = arith.constant 7 : i32
      %shift_left3A_152 = arith.shli %shift_right_logical3A_150, %shift_left3A_151 : i32
      %multiple_of3A_153 = tpu.assume_multiple %shift_left3A_152, 128 : i32
      %dma_start3A_154 = arith.constant 0 : i32
      %dma_start3A_155 = arith.constant 0 : i32
      %dma_start3A_156 = tpu.memref_slice %arg7[%dma_start3A_154, %dma_start3A_155] : memref<256x128xf32, #tpu.memory_space<vmem>> -> memref<32x128xf32, #tpu.memory_space<vmem>>
      %dma_start3A_157 = arith.constant 0 : i32
      %dma_start3A_158 = tpu.memref_slice %arg2[%dma_start3A_157, %multiple_of3A_153] : memref<32x1000000xf32, #tpu.memory_space<hbm>> -> memref<32x128xf32, #tpu.memory_space<hbm>>
      %dma_start3A_159 = arith.constant 0 : i32
      %dma_start3A_160 = arith.constant 0 : i32
      %dma_start3A_161 = tpu.memref_slice %arg7[%dma_start3A_159, %dma_start3A_160] : memref<256x128xf32, #tpu.memory_space<vmem>> -> memref<32x128xf32, #tpu.memory_space<vmem>>
      %dma_start3A_162 = arith.constant 0 : i32
      %dma_start3A_163 = tpu.memref_slice %arg2[%dma_start3A_162, %multiple_of3A_153] : memref<32x1000000xf32, #tpu.memory_space<hbm>> -> memref<32x128xf32, #tpu.memory_space<hbm>>
      tpu.enqueue_dma source(%dma_start3A_163 : memref<32x128xf32, #tpu.memory_space<hbm>>) target(%dma_start3A_161 : memref<32x128xf32, #tpu.memory_space<vmem>>) target_semaphore(%arg10 : memref<!tpu.dma_semaphore, #tpu.memory_space<semaphore_mem>>)
      %slice3A_164 = vector.extract_strided_slice %get3A_146 {offsets = [9], sizes = [1], strides = [1]} : vector<16xi32> to vector<1xi32>
      %squeeze3A_165 = vector.extract %slice3A_164[0] : i32 from vector<1xi32>
      %shift_right_logical3A_166 = arith.constant 7 : i32
      %shift_right_logical3A_167 = arith.shrui %squeeze3A_165, %shift_right_logical3A_166 : i32
      %shift_left3A_168 = arith.constant 7 : i32
      %shift_left3A_169 = arith.shli %shift_right_logical3A_167, %shift_left3A_168 : i32
      %multiple_of3A_170 = tpu.assume_multiple %shift_left3A_169, 128 : i32
      %dma_start3A_171 = arith.constant 32 : i32
      %dma_start3A_172 = arith.constant 0 : i32
      %dma_start3A_173 = tpu.memref_slice %arg7[%dma_start3A_171, %dma_start3A_172] : memref<256x128xf32, #tpu.memory_space<vmem>> -> memref<32x128xf32, #tpu.memory_space<vmem>>
      %dma_start3A_174 = arith.constant 0 : i32
      %dma_start3A_175 = tpu.memref_slice %arg2[%dma_start3A_174, %multiple_of3A_170] : memref<32x1000000xf32, #tpu.memory_space<hbm>> -> memref<32x128xf32, #tpu.memory_space<hbm>>
      %dma_start3A_176 = arith.constant 32 : i32
      %dma_start3A_177 = arith.constant 0 : i32
      %dma_start3A_178 = tpu.memref_slice %arg7[%dma_start3A_176, %dma_start3A_177] : memref<256x128xf32, #tpu.memory_space<vmem>> -> memref<32x128xf32, #tpu.memory_space<vmem>>
      %dma_start3A_179 = arith.constant 0 : i32
      %dma_start3A_180 = tpu.memref_slice %arg2[%dma_start3A_179, %multiple_of3A_170] : memref<32x1000000xf32, #tpu.memory_space<hbm>> -> memref<32x128xf32, #tpu.memory_space<hbm>>
      tpu.enqueue_dma source(%dma_start3A_180 : memref<32x128xf32, #tpu.memory_space<hbm>>) target(%dma_start3A_178 : memref<32x128xf32, #tpu.memory_space<vmem>>) target_semaphore(%arg10 : memref<!tpu.dma_semaphore, #tpu.memory_space<semaphore_mem>>)
      %slice3A_181 = vector.extract_strided_slice %get3A_146 {offsets = [10], sizes = [1], strides = [1]} : vector<16xi32> to vector<1xi32>
      %squeeze3A_182 = vector.extract %slice3A_181[0] : i32 from vector<1xi32>
      %shift_right_logical3A_183 = arith.constant 7 : i32
      %shift_right_logical3A_184 = arith.shrui %squeeze3A_182, %shift_right_logical3A_183 : i32
      %shift_left3A_185 = arith.constant 7 : i32
      %shift_left3A_186 = arith.shli %shift_right_logical3A_184, %shift_left3A_185 : i32
      %multiple_of3A_187 = tpu.assume_multiple %shift_left3A_186, 128 : i32
      %dma_start3A_188 = arith.constant 64 : i32
      %dma_start3A_189 = arith.constant 0 : i32
      %dma_start3A_190 = tpu.memref_slice %arg7[%dma_start3A_188, %dma_start3A_189] : memref<256x128xf32, #tpu.memory_space<vmem>> -> memref<32x128xf32, #tpu.memory_space<vmem>>
      %dma_start3A_191 = arith.constant 0 : i32
      %dma_start3A_192 = tpu.memref_slice %arg2[%dma_start3A_191, %multiple_of3A_187] : memref<32x1000000xf32, #tpu.memory_space<hbm>> -> memref<32x128xf32, #tpu.memory_space<hbm>>
      %dma_start3A_193 = arith.constant 64 : i32
      %dma_start3A_194 = arith.constant 0 : i32
      %dma_start3A_195 = tpu.memref_slice %arg7[%dma_start3A_193, %dma_start3A_194] : memref<256x128xf32, #tpu.memory_space<vmem>> -> memref<32x128xf32, #tpu.memory_space<vmem>>
      %dma_start3A_196 = arith.constant 0 : i32
      %dma_start3A_197 = tpu.memref_slice %arg2[%dma_start3A_196, %multiple_of3A_187] : memref<32x1000000xf32, #tpu.memory_space<hbm>> -> memref<32x128xf32, #tpu.memory_space<hbm>>
      tpu.enqueue_dma source(%dma_start3A_197 : memref<32x128xf32, #tpu.memory_space<hbm>>) target(%dma_start3A_195 : memref<32x128xf32, #tpu.memory_space<vmem>>) target_semaphore(%arg10 : memref<!tpu.dma_semaphore, #tpu.memory_space<semaphore_mem>>)
      %slice3A_198 = vector.extract_strided_slice %get3A_146 {offsets = [11], sizes = [1], strides = [1]} : vector<16xi32> to vector<1xi32>
      %squeeze3A_199 = vector.extract %slice3A_198[0] : i32 from vector<1xi32>
      %shift_right_logical3A_200 = arith.constant 7 : i32
      %shift_right_logical3A_201 = arith.shrui %squeeze3A_199, %shift_right_logical3A_200 : i32
      %shift_left3A_202 = arith.constant 7 : i32
      %shift_left3A_203 = arith.shli %shift_right_logical3A_201, %shift_left3A_202 : i32
      %multiple_of3A_204 = tpu.assume_multiple %shift_left3A_203, 128 : i32
      %dma_start3A_205 = arith.constant 96 : i32
      %dma_start3A_206 = arith.constant 0 : i32
      %dma_start3A_207 = tpu.memref_slice %arg7[%dma_start3A_205, %dma_start3A_206] : memref<256x128xf32, #tpu.memory_space<vmem>> -> memref<32x128xf32, #tpu.memory_space<vmem>>
      %dma_start3A_208 = arith.constant 0 : i32
      %dma_start3A_209 = tpu.memref_slice %arg2[%dma_start3A_208, %multiple_of3A_204] : memref<32x1000000xf32, #tpu.memory_space<hbm>> -> memref<32x128xf32, #tpu.memory_space<hbm>>
      %dma_start3A_210 = arith.constant 96 : i32
      %dma_start3A_211 = arith.constant 0 : i32
      %dma_start3A_212 = tpu.memref_slice %arg7[%dma_start3A_210, %dma_start3A_211] : memref<256x128xf32, #tpu.memory_space<vmem>> -> memref<32x128xf32, #tpu.memory_space<vmem>>
      %dma_start3A_213 = arith.constant 0 : i32
      %dma_start3A_214 = tpu.memref_slice %arg2[%dma_start3A_213, %multiple_of3A_204] : memref<32x1000000xf32, #tpu.memory_space<hbm>> -> memref<32x128xf32, #tpu.memory_space<hbm>>
      tpu.enqueue_dma source(%dma_start3A_214 : memref<32x128xf32, #tpu.memory_space<hbm>>) target(%dma_start3A_212 : memref<32x128xf32, #tpu.memory_space<vmem>>) target_semaphore(%arg10 : memref<!tpu.dma_semaphore, #tpu.memory_space<semaphore_mem>>)
      %slice3A_215 = vector.extract_strided_slice %get3A_146 {offsets = [12], sizes = [1], strides = [1]} : vector<16xi32> to vector<1xi32>
      %squeeze3A_216 = vector.extract %slice3A_215[0] : i32 from vector<1xi32>
      %shift_right_logical3A_217 = arith.constant 7 : i32
      %shift_right_logical3A_218 = arith.shrui %squeeze3A_216, %shift_right_logical3A_217 : i32
      %shift_left3A_219 = arith.constant 7 : i32
      %shift_left3A_220 = arith.shli %shift_right_logical3A_218, %shift_left3A_219 : i32
      %multiple_of3A_221 = tpu.assume_multiple %shift_left3A_220, 128 : i32
      %dma_start3A_222 = arith.constant 128 : i32
      %dma_start3A_223 = arith.constant 0 : i32
      %dma_start3A_224 = tpu.memref_slice %arg7[%dma_start3A_222, %dma_start3A_223] : memref<256x128xf32, #tpu.memory_space<vmem>> -> memref<32x128xf32, #tpu.memory_space<vmem>>
      %dma_start3A_225 = arith.constant 0 : i32
      %dma_start3A_226 = tpu.memref_slice %arg2[%dma_start3A_225, %multiple_of3A_221] : memref<32x1000000xf32, #tpu.memory_space<hbm>> -> memref<32x128xf32, #tpu.memory_space<hbm>>
      %dma_start3A_227 = arith.constant 128 : i32
      %dma_start3A_228 = arith.constant 0 : i32
      %dma_start3A_229 = tpu.memref_slice %arg7[%dma_start3A_227, %dma_start3A_228] : memref<256x128xf32, #tpu.memory_space<vmem>> -> memref<32x128xf32, #tpu.memory_space<vmem>>
      %dma_start3A_230 = arith.constant 0 : i32
      %dma_start3A_231 = tpu.memref_slice %arg2[%dma_start3A_230, %multiple_of3A_221] : memref<32x1000000xf32, #tpu.memory_space<hbm>> -> memref<32x128xf32, #tpu.memory_space<hbm>>
      tpu.enqueue_dma source(%dma_start3A_231 : memref<32x128xf32, #tpu.memory_space<hbm>>) target(%dma_start3A_229 : memref<32x128xf32, #tpu.memory_space<vmem>>) target_semaphore(%arg10 : memref<!tpu.dma_semaphore, #tpu.memory_space<semaphore_mem>>)
      %slice3A_232 = vector.extract_strided_slice %get3A_146 {offsets = [13], sizes = [1], strides = [1]} : vector<16xi32> to vector<1xi32>
      %squeeze3A_233 = vector.extract %slice3A_232[0] : i32 from vector<1xi32>
      %shift_right_logical3A_234 = arith.constant 7 : i32
      %shift_right_logical3A_235 = arith.shrui %squeeze3A_233, %shift_right_logical3A_234 : i32
      %shift_left3A_236 = arith.constant 7 : i32
      %shift_left3A_237 = arith.shli %shift_right_logical3A_235, %shift_left3A_236 : i32
      %multiple_of3A_238 = tpu.assume_multiple %shift_left3A_237, 128 : i32
      %dma_start3A_239 = arith.constant 160 : i32
      %dma_start3A_240 = arith.constant 0 : i32
      %dma_start3A_241 = tpu.memref_slice %arg7[%dma_start3A_239, %dma_start3A_240] : memref<256x128xf32, #tpu.memory_space<vmem>> -> memref<32x128xf32, #tpu.memory_space<vmem>>
      %dma_start3A_242 = arith.constant 0 : i32
      %dma_start3A_243 = tpu.memref_slice %arg2[%dma_start3A_242, %multiple_of3A_238] : memref<32x1000000xf32, #tpu.memory_space<hbm>> -> memref<32x128xf32, #tpu.memory_space<hbm>>
      %dma_start3A_244 = arith.constant 160 : i32
      %dma_start3A_245 = arith.constant 0 : i32
      %dma_start3A_246 = tpu.memref_slice %arg7[%dma_start3A_244, %dma_start3A_245] : memref<256x128xf32, #tpu.memory_space<vmem>> -> memref<32x128xf32, #tpu.memory_space<vmem>>
      %dma_start3A_247 = arith.constant 0 : i32
      %dma_start3A_248 = tpu.memref_slice %arg2[%dma_start3A_247, %multiple_of3A_238] : memref<32x1000000xf32, #tpu.memory_space<hbm>> -> memref<32x128xf32, #tpu.memory_space<hbm>>
      tpu.enqueue_dma source(%dma_start3A_248 : memref<32x128xf32, #tpu.memory_space<hbm>>) target(%dma_start3A_246 : memref<32x128xf32, #tpu.memory_space<vmem>>) target_semaphore(%arg10 : memref<!tpu.dma_semaphore, #tpu.memory_space<semaphore_mem>>)
      %slice3A_249 = vector.extract_strided_slice %get3A_146 {offsets = [14], sizes = [1], strides = [1]} : vector<16xi32> to vector<1xi32>
      %squeeze3A_250 = vector.extract %slice3A_249[0] : i32 from vector<1xi32>
      %shift_right_logical3A_251 = arith.constant 7 : i32
      %shift_right_logical3A_252 = arith.shrui %squeeze3A_250, %shift_right_logical3A_251 : i32
      %shift_left3A_253 = arith.constant 7 : i32
      %shift_left3A_254 = arith.shli %shift_right_logical3A_252, %shift_left3A_253 : i32
      %multiple_of3A_255 = tpu.assume_multiple %shift_left3A_254, 128 : i32
      %dma_start3A_256 = arith.constant 192 : i32
      %dma_start3A_257 = arith.constant 0 : i32
      %dma_start3A_258 = tpu.memref_slice %arg7[%dma_start3A_256, %dma_start3A_257] : memref<256x128xf32, #tpu.memory_space<vmem>> -> memref<32x128xf32, #tpu.memory_space<vmem>>
      %dma_start3A_259 = arith.constant 0 : i32
      %dma_start3A_260 = tpu.memref_slice %arg2[%dma_start3A_259, %multiple_of3A_255] : memref<32x1000000xf32, #tpu.memory_space<hbm>> -> memref<32x128xf32, #tpu.memory_space<hbm>>
      %dma_start3A_261 = arith.constant 192 : i32
      %dma_start3A_262 = arith.constant 0 : i32
      %dma_start3A_263 = tpu.memref_slice %arg7[%dma_start3A_261, %dma_start3A_262] : memref<256x128xf32, #tpu.memory_space<vmem>> -> memref<32x128xf32, #tpu.memory_space<vmem>>
      %dma_start3A_264 = arith.constant 0 : i32
      %dma_start3A_265 = tpu.memref_slice %arg2[%dma_start3A_264, %multiple_of3A_255] : memref<32x1000000xf32, #tpu.memory_space<hbm>> -> memref<32x128xf32, #tpu.memory_space<hbm>>
      tpu.enqueue_dma source(%dma_start3A_265 : memref<32x128xf32, #tpu.memory_space<hbm>>) target(%dma_start3A_263 : memref<32x128xf32, #tpu.memory_space<vmem>>) target_semaphore(%arg10 : memref<!tpu.dma_semaphore, #tpu.memory_space<semaphore_mem>>)
      %slice3A_266 = vector.extract_strided_slice %get3A_146 {offsets = [15], sizes = [1], strides = [1]} : vector<16xi32> to vector<1xi32>
      %squeeze3A_267 = vector.extract %slice3A_266[0] : i32 from vector<1xi32>
      %shift_right_logical3A_268 = arith.constant 7 : i32
      %shift_right_logical3A_269 = arith.shrui %squeeze3A_267, %shift_right_logical3A_268 : i32
      %shift_left3A_270 = arith.constant 7 : i32
      %shift_left3A_271 = arith.shli %shift_right_logical3A_269, %shift_left3A_270 : i32
      %multiple_of3A_272 = tpu.assume_multiple %shift_left3A_271, 128 : i32
      %dma_start3A_273 = arith.constant 224 : i32
      %dma_start3A_274 = arith.constant 0 : i32
      %dma_start3A_275 = tpu.memref_slice %arg7[%dma_start3A_273, %dma_start3A_274] : memref<256x128xf32, #tpu.memory_space<vmem>> -> memref<32x128xf32, #tpu.memory_space<vmem>>
      %dma_start3A_276 = arith.constant 0 : i32
      %dma_start3A_277 = tpu.memref_slice %arg2[%dma_start3A_276, %multiple_of3A_272] : memref<32x1000000xf32, #tpu.memory_space<hbm>> -> memref<32x128xf32, #tpu.memory_space<hbm>>
      %dma_start3A_278 = arith.constant 224 : i32
      %dma_start3A_279 = arith.constant 0 : i32
      %dma_start3A_280 = tpu.memref_slice %arg7[%dma_start3A_278, %dma_start3A_279] : memref<256x128xf32, #tpu.memory_space<vmem>> -> memref<32x128xf32, #tpu.memory_space<vmem>>
      %dma_start3A_281 = arith.constant 0 : i32
      %dma_start3A_282 = tpu.memref_slice %arg2[%dma_start3A_281, %multiple_of3A_272] : memref<32x1000000xf32, #tpu.memory_space<hbm>> -> memref<32x128xf32, #tpu.memory_space<hbm>>
      tpu.enqueue_dma source(%dma_start3A_282 : memref<32x128xf32, #tpu.memory_space<hbm>>) target(%dma_start3A_280 : memref<32x128xf32, #tpu.memory_space<vmem>>) target_semaphore(%arg10 : memref<!tpu.dma_semaphore, #tpu.memory_space<semaphore_mem>>)
      %mul3A_283 = arith.constant 2 : i32
      %mul3A_284 = arith.muli %scan3A_140, %mul3A_283 : i32
      %dma_wait3A = arith.constant 0 : i32
      %dma_wait3A_285 = arith.constant 0 : i32
      %dma_wait3A_286 = tpu.memref_slice %arg6[%dma_wait3A, %dma_wait3A_285] : memref<256x128xf32, #tpu.memory_space<vmem>> -> memref<32x128xf32, #tpu.memory_space<vmem>>
      %dma_wait3A_287 = arith.constant 0 : i32
      %dma_wait3A_288 = arith.constant 0 : i32
      %dma_wait3A_289 = tpu.memref_slice %arg2[%dma_wait3A_287, %dma_wait3A_288] : memref<32x1000000xf32, #tpu.memory_space<hbm>> -> memref<32x128xf32, #tpu.memory_space<hbm>>
      %dma_wait3A_290 = arith.constant 0 : i32
      %dma_wait3A_291 = arith.constant 0 : i32
      %dma_wait3A_292 = tpu.memref_slice %arg6[%dma_wait3A_290, %dma_wait3A_291] : memref<256x128xf32, #tpu.memory_space<vmem>> -> memref<32x128xf32, #tpu.memory_space<vmem>>
      %dma_wait3A_293 = arith.constant 0 : i32
      %dma_wait3A_294 = arith.constant 0 : i32
      %dma_wait3A_295 = tpu.memref_slice %arg2[%dma_wait3A_293, %dma_wait3A_294] : memref<32x1000000xf32, #tpu.memory_space<hbm>> -> memref<32x128xf32, #tpu.memory_space<hbm>>
      tpu.wait_dma2 semaphore(%arg9 : memref<!tpu.dma_semaphore, #tpu.memory_space<semaphore_mem>>) src(%dma_wait3A_295 : memref<32x128xf32, #tpu.memory_space<hbm>>) dst(%dma_wait3A_292 : memref<32x128xf32, #tpu.memory_space<vmem>>)
      %dma_wait3A_296 = arith.constant 32 : i32
      %dma_wait3A_297 = arith.constant 0 : i32
      %dma_wait3A_298 = tpu.memref_slice %arg6[%dma_wait3A_296, %dma_wait3A_297] : memref<256x128xf32, #tpu.memory_space<vmem>> -> memref<32x128xf32, #tpu.memory_space<vmem>>
      %dma_wait3A_299 = arith.constant 0 : i32
      %dma_wait3A_300 = arith.constant 0 : i32
      %dma_wait3A_301 = tpu.memref_slice %arg2[%dma_wait3A_299, %dma_wait3A_300] : memref<32x1000000xf32, #tpu.memory_space<hbm>> -> memref<32x128xf32, #tpu.memory_space<hbm>>
      %dma_wait3A_302 = arith.constant 32 : i32
      %dma_wait3A_303 = arith.constant 0 : i32
      %dma_wait3A_304 = tpu.memref_slice %arg6[%dma_wait3A_302, %dma_wait3A_303] : memref<256x128xf32, #tpu.memory_space<vmem>> -> memref<32x128xf32, #tpu.memory_space<vmem>>
      %dma_wait3A_305 = arith.constant 0 : i32
      %dma_wait3A_306 = arith.constant 0 : i32
      %dma_wait3A_307 = tpu.memref_slice %arg2[%dma_wait3A_305, %dma_wait3A_306] : memref<32x1000000xf32, #tpu.memory_space<hbm>> -> memref<32x128xf32, #tpu.memory_space<hbm>>
      tpu.wait_dma2 semaphore(%arg9 : memref<!tpu.dma_semaphore, #tpu.memory_space<semaphore_mem>>) src(%dma_wait3A_307 : memref<32x128xf32, #tpu.memory_space<hbm>>) dst(%dma_wait3A_304 : memref<32x128xf32, #tpu.memory_space<vmem>>)
      %dma_wait3A_308 = arith.constant 64 : i32
      %dma_wait3A_309 = arith.constant 0 : i32
      %dma_wait3A_310 = tpu.memref_slice %arg6[%dma_wait3A_308, %dma_wait3A_309] : memref<256x128xf32, #tpu.memory_space<vmem>> -> memref<32x128xf32, #tpu.memory_space<vmem>>
      %dma_wait3A_311 = arith.constant 0 : i32
      %dma_wait3A_312 = arith.constant 0 : i32
      %dma_wait3A_313 = tpu.memref_slice %arg2[%dma_wait3A_311, %dma_wait3A_312] : memref<32x1000000xf32, #tpu.memory_space<hbm>> -> memref<32x128xf32, #tpu.memory_space<hbm>>
      %dma_wait3A_314 = arith.constant 64 : i32
      %dma_wait3A_315 = arith.constant 0 : i32
      %dma_wait3A_316 = tpu.memref_slice %arg6[%dma_wait3A_314, %dma_wait3A_315] : memref<256x128xf32, #tpu.memory_space<vmem>> -> memref<32x128xf32, #tpu.memory_space<vmem>>
      %dma_wait3A_317 = arith.constant 0 : i32
      %dma_wait3A_318 = arith.constant 0 : i32
      %dma_wait3A_319 = tpu.memref_slice %arg2[%dma_wait3A_317, %dma_wait3A_318] : memref<32x1000000xf32, #tpu.memory_space<hbm>> -> memref<32x128xf32, #tpu.memory_space<hbm>>
      tpu.wait_dma2 semaphore(%arg9 : memref<!tpu.dma_semaphore, #tpu.memory_space<semaphore_mem>>) src(%dma_wait3A_319 : memref<32x128xf32, #tpu.memory_space<hbm>>) dst(%dma_wait3A_316 : memref<32x128xf32, #tpu.memory_space<vmem>>)
      %dma_wait3A_320 = arith.constant 96 : i32
      %dma_wait3A_321 = arith.constant 0 : i32
      %dma_wait3A_322 = tpu.memref_slice %arg6[%dma_wait3A_320, %dma_wait3A_321] : memref<256x128xf32, #tpu.memory_space<vmem>> -> memref<32x128xf32, #tpu.memory_space<vmem>>
      %dma_wait3A_323 = arith.constant 0 : i32
      %dma_wait3A_324 = arith.constant 0 : i32
      %dma_wait3A_325 = tpu.memref_slice %arg2[%dma_wait3A_323, %dma_wait3A_324] : memref<32x1000000xf32, #tpu.memory_space<hbm>> -> memref<32x128xf32, #tpu.memory_space<hbm>>
      %dma_wait3A_326 = arith.constant 96 : i32
      %dma_wait3A_327 = arith.constant 0 : i32
      %dma_wait3A_328 = tpu.memref_slice %arg6[%dma_wait3A_326, %dma_wait3A_327] : memref<256x128xf32, #tpu.memory_space<vmem>> -> memref<32x128xf32, #tpu.memory_space<vmem>>
      %dma_wait3A_329 = arith.constant 0 : i32
      %dma_wait3A_330 = arith.constant 0 : i32
      %dma_wait3A_331 = tpu.memref_slice %arg2[%dma_wait3A_329, %dma_wait3A_330] : memref<32x1000000xf32, #tpu.memory_space<hbm>> -> memref<32x128xf32, #tpu.memory_space<hbm>>
      tpu.wait_dma2 semaphore(%arg9 : memref<!tpu.dma_semaphore, #tpu.memory_space<semaphore_mem>>) src(%dma_wait3A_331 : memref<32x128xf32, #tpu.memory_space<hbm>>) dst(%dma_wait3A_328 : memref<32x128xf32, #tpu.memory_space<vmem>>)
      %dma_wait3A_332 = arith.constant 128 : i32
      %dma_wait3A_333 = arith.constant 0 : i32
      %dma_wait3A_334 = tpu.memref_slice %arg6[%dma_wait3A_332, %dma_wait3A_333] : memref<256x128xf32, #tpu.memory_space<vmem>> -> memref<32x128xf32, #tpu.memory_space<vmem>>
      %dma_wait3A_335 = arith.constant 0 : i32
      %dma_wait3A_336 = arith.constant 0 : i32
      %dma_wait3A_337 = tpu.memref_slice %arg2[%dma_wait3A_335, %dma_wait3A_336] : memref<32x1000000xf32, #tpu.memory_space<hbm>> -> memref<32x128xf32, #tpu.memory_space<hbm>>
      %dma_wait3A_338 = arith.constant 128 : i32
      %dma_wait3A_339 = arith.constant 0 : i32
      %dma_wait3A_340 = tpu.memref_slice %arg6[%dma_wait3A_338, %dma_wait3A_339] : memref<256x128xf32, #tpu.memory_space<vmem>> -> memref<32x128xf32, #tpu.memory_space<vmem>>
      %dma_wait3A_341 = arith.constant 0 : i32
      %dma_wait3A_342 = arith.constant 0 : i32
      %dma_wait3A_343 = tpu.memref_slice %arg2[%dma_wait3A_341, %dma_wait3A_342] : memref<32x1000000xf32, #tpu.memory_space<hbm>> -> memref<32x128xf32, #tpu.memory_space<hbm>>
      tpu.wait_dma2 semaphore(%arg9 : memref<!tpu.dma_semaphore, #tpu.memory_space<semaphore_mem>>) src(%dma_wait3A_343 : memref<32x128xf32, #tpu.memory_space<hbm>>) dst(%dma_wait3A_340 : memref<32x128xf32, #tpu.memory_space<vmem>>)
      %dma_wait3A_344 = arith.constant 160 : i32
      %dma_wait3A_345 = arith.constant 0 : i32
      %dma_wait3A_346 = tpu.memref_slice %arg6[%dma_wait3A_344, %dma_wait3A_345] : memref<256x128xf32, #tpu.memory_space<vmem>> -> memref<32x128xf32, #tpu.memory_space<vmem>>
      %dma_wait3A_347 = arith.constant 0 : i32
      %dma_wait3A_348 = arith.constant 0 : i32
      %dma_wait3A_349 = tpu.memref_slice %arg2[%dma_wait3A_347, %dma_wait3A_348] : memref<32x1000000xf32, #tpu.memory_space<hbm>> -> memref<32x128xf32, #tpu.memory_space<hbm>>
      %dma_wait3A_350 = arith.constant 160 : i32
      %dma_wait3A_351 = arith.constant 0 : i32
      %dma_wait3A_352 = tpu.memref_slice %arg6[%dma_wait3A_350, %dma_wait3A_351] : memref<256x128xf32, #tpu.memory_space<vmem>> -> memref<32x128xf32, #tpu.memory_space<vmem>>
      %dma_wait3A_353 = arith.constant 0 : i32
      %dma_wait3A_354 = arith.constant 0 : i32
      %dma_wait3A_355 = tpu.memref_slice %arg2[%dma_wait3A_353, %dma_wait3A_354] : memref<32x1000000xf32, #tpu.memory_space<hbm>> -> memref<32x128xf32, #tpu.memory_space<hbm>>
      tpu.wait_dma2 semaphore(%arg9 : memref<!tpu.dma_semaphore, #tpu.memory_space<semaphore_mem>>) src(%dma_wait3A_355 : memref<32x128xf32, #tpu.memory_space<hbm>>) dst(%dma_wait3A_352 : memref<32x128xf32, #tpu.memory_space<vmem>>)
      %dma_wait3A_356 = arith.constant 192 : i32
      %dma_wait3A_357 = arith.constant 0 : i32
      %dma_wait3A_358 = tpu.memref_slice %arg6[%dma_wait3A_356, %dma_wait3A_357] : memref<256x128xf32, #tpu.memory_space<vmem>> -> memref<32x128xf32, #tpu.memory_space<vmem>>
      %dma_wait3A_359 = arith.constant 0 : i32
      %dma_wait3A_360 = arith.constant 0 : i32
      %dma_wait3A_361 = tpu.memref_slice %arg2[%dma_wait3A_359, %dma_wait3A_360] : memref<32x1000000xf32, #tpu.memory_space<hbm>> -> memref<32x128xf32, #tpu.memory_space<hbm>>
      %dma_wait3A_362 = arith.constant 192 : i32
      %dma_wait3A_363 = arith.constant 0 : i32
      %dma_wait3A_364 = tpu.memref_slice %arg6[%dma_wait3A_362, %dma_wait3A_363] : memref<256x128xf32, #tpu.memory_space<vmem>> -> memref<32x128xf32, #tpu.memory_space<vmem>>
      %dma_wait3A_365 = arith.constant 0 : i32
      %dma_wait3A_366 = arith.constant 0 : i32
      %dma_wait3A_367 = tpu.memref_slice %arg2[%dma_wait3A_365, %dma_wait3A_366] : memref<32x1000000xf32, #tpu.memory_space<hbm>> -> memref<32x128xf32, #tpu.memory_space<hbm>>
      tpu.wait_dma2 semaphore(%arg9 : memref<!tpu.dma_semaphore, #tpu.memory_space<semaphore_mem>>) src(%dma_wait3A_367 : memref<32x128xf32, #tpu.memory_space<hbm>>) dst(%dma_wait3A_364 : memref<32x128xf32, #tpu.memory_space<vmem>>)
      %dma_wait3A_368 = arith.constant 224 : i32
      %dma_wait3A_369 = arith.constant 0 : i32
      %dma_wait3A_370 = tpu.memref_slice %arg6[%dma_wait3A_368, %dma_wait3A_369] : memref<256x128xf32, #tpu.memory_space<vmem>> -> memref<32x128xf32, #tpu.memory_space<vmem>>
      %dma_wait3A_371 = arith.constant 0 : i32
      %dma_wait3A_372 = arith.constant 0 : i32
      %dma_wait3A_373 = tpu.memref_slice %arg2[%dma_wait3A_371, %dma_wait3A_372] : memref<32x1000000xf32, #tpu.memory_space<hbm>> -> memref<32x128xf32, #tpu.memory_space<hbm>>
      %dma_wait3A_374 = arith.constant 224 : i32
      %dma_wait3A_375 = arith.constant 0 : i32
      %dma_wait3A_376 = tpu.memref_slice %arg6[%dma_wait3A_374, %dma_wait3A_375] : memref<256x128xf32, #tpu.memory_space<vmem>> -> memref<32x128xf32, #tpu.memory_space<vmem>>
      %dma_wait3A_377 = arith.constant 0 : i32
      %dma_wait3A_378 = arith.constant 0 : i32
      %dma_wait3A_379 = tpu.memref_slice %arg2[%dma_wait3A_377, %dma_wait3A_378] : memref<32x1000000xf32, #tpu.memory_space<hbm>> -> memref<32x128xf32, #tpu.memory_space<hbm>>
      tpu.wait_dma2 semaphore(%arg9 : memref<!tpu.dma_semaphore, #tpu.memory_space<semaphore_mem>>) src(%dma_wait3A_379 : memref<32x128xf32, #tpu.memory_space<hbm>>) dst(%dma_wait3A_376 : memref<32x128xf32, #tpu.memory_space<vmem>>)
      %slice3A_380 = vector.extract_strided_slice %get3A_146 {offsets = [0], sizes = [1], strides = [1]} : vector<16xi32> to vector<1xi32>
      %squeeze3A_381 = vector.extract %slice3A_380[0] : i32 from vector<1xi32>
      %and3A = arith.constant 127 : i32
      %and3A_382 = arith.andi %squeeze3A_381, %and3A : i32
      %broadcast_in_dim3A = vector.broadcast %and3A_382 : i32 to vector<16xi32>
      %mul3A_383 = arith.constant 8 : i32
      %mul3A_384 = arith.muli %mul3A_284, %mul3A_383 : i32
      %add3A_385 = arith.constant 0 : i32
      %add3A_386 = arith.addi %mul3A_384, %add3A_385 : i32
      %add3A_387 = arith.constant 0 : i32
      %add3A_388 = vector.broadcast %add3A_387 : i32 to vector<16xi32>
      %add3A_389 = arith.addi %add3A_388, %iota3A : vector<16xi32>
      %gather3A = tpu.vector_load_idx %arg6[%add3A_389, %broadcast_in_dim3A] : memref<256x128xf32, #tpu.memory_space<vmem>>[vector<16xi32>, vector<16xi32>], vector<16xf32>,
      %add3A_390 = arith.constant 0 : i32
      %add3A_391 = vector.broadcast %add3A_390 : i32 to vector<16xi32>
      %add3A_392 = arith.addi %add3A_391, %iota3A : vector<16xi32>
      %broadcast_in_dim3A_393 = vector.broadcast %add3A_386 : i32 to vector<16xi32>
      tpu.vector_store_idx %arg8[%add3A_392, %broadcast_in_dim3A_393], %gather3A : memref<32x512xf32, #tpu.memory_space<vmem>>[vector<16xi32>, vector<16xi32>], vector<16xf32>,
      %add3A_394 = arith.constant 16 : i32
      %add3A_395 = vector.broadcast %add3A_394 : i32 to vector<16xi32>
      %add3A_396 = arith.addi %add3A_395, %iota3A : vector<16xi32>
      %gather3A_397 = tpu.vector_load_idx %arg6[%add3A_396, %broadcast_in_dim3A] : memref<256x128xf32, #tpu.memory_space<vmem>>[vector<16xi32>, vector<16xi32>], vector<16xf32>,
      %add3A_398 = arith.constant 16 : i32
      %add3A_399 = vector.broadcast %add3A_398 : i32 to vector<16xi32>
      %add3A_400 = arith.addi %add3A_399, %iota3A : vector<16xi32>
      %broadcast_in_dim3A_401 = vector.broadcast %add3A_386 : i32 to vector<16xi32>
      tpu.vector_store_idx %arg8[%add3A_400, %broadcast_in_dim3A_401], %gather3A_397 : memref<32x512xf32, #tpu.memory_space<vmem>>[vector<16xi32>, vector<16xi32>], vector<16xf32>,
      %slice3A_402 = vector.extract_strided_slice %get3A_146 {offsets = [1], sizes = [1], strides = [1]} : vector<16xi32> to vector<1xi32>
      %squeeze3A_403 = vector.extract %slice3A_402[0] : i32 from vector<1xi32>
      %and3A_404 = arith.constant 127 : i32
      %and3A_405 = arith.andi %squeeze3A_403, %and3A_404 : i32
      %broadcast_in_dim3A_406 = vector.broadcast %and3A_405 : i32 to vector<16xi32>
      %mul3A_407 = arith.constant 8 : i32
      %mul3A_408 = arith.muli %mul3A_284, %mul3A_407 : i32
      %add3A_409 = arith.constant 1 : i32
      %add3A_410 = arith.addi %mul3A_408, %add3A_409 : i32
      %add3A_411 = arith.constant 32 : i32
      %add3A_412 = vector.broadcast %add3A_411 : i32 to vector<16xi32>
      %add3A_413 = arith.addi %add3A_412, %iota3A : vector<16xi32>
      %gather3A_414 = tpu.vector_load_idx %arg6[%add3A_413, %broadcast_in_dim3A_406] : memref<256x128xf32, #tpu.memory_space<vmem>>[vector<16xi32>, vector<16xi32>], vector<16xf32>,
      %add3A_415 = arith.constant 0 : i32
      %add3A_416 = vector.broadcast %add3A_415 : i32 to vector<16xi32>
      %add3A_417 = arith.addi %add3A_416, %iota3A : vector<16xi32>
      %broadcast_in_dim3A_418 = vector.broadcast %add3A_410 : i32 to vector<16xi32>
      tpu.vector_store_idx %arg8[%add3A_417, %broadcast_in_dim3A_418], %gather3A_414 : memref<32x512xf32, #tpu.memory_space<vmem>>[vector<16xi32>, vector<16xi32>], vector<16xf32>,
      %add3A_419 = arith.constant 48 : i32
      %add3A_420 = vector.broadcast %add3A_419 : i32 to vector<16xi32>
      %add3A_421 = arith.addi %add3A_420, %iota3A : vector<16xi32>
      %gather3A_422 = tpu.vector_load_idx %arg6[%add3A_421, %broadcast_in_dim3A_406] : memref<256x128xf32, #tpu.memory_space<vmem>>[vector<16xi32>, vector<16xi32>], vector<16xf32>,
      %add3A_423 = arith.constant 16 : i32
      %add3A_424 = vector.broadcast %add3A_423 : i32 to vector<16xi32>
      %add3A_425 = arith.addi %add3A_424, %iota3A : vector<16xi32>
      %broadcast_in_dim3A_426 = vector.broadcast %add3A_410 : i32 to vector<16xi32>
      tpu.vector_store_idx %arg8[%add3A_425, %broadcast_in_dim3A_426], %gather3A_422 : memref<32x512xf32, #tpu.memory_space<vmem>>[vector<16xi32>, vector<16xi32>], vector<16xf32>,
      %slice3A_427 = vector.extract_strided_slice %get3A_146 {offsets = [2], sizes = [1], strides = [1]} : vector<16xi32> to vector<1xi32>
      %squeeze3A_428 = vector.extract %slice3A_427[0] : i32 from vector<1xi32>
      %and3A_429 = arith.constant 127 : i32
      %and3A_430 = arith.andi %squeeze3A_428, %and3A_429 : i32
      %broadcast_in_dim3A_431 = vector.broadcast %and3A_430 : i32 to vector<16xi32>
      %mul3A_432 = arith.constant 8 : i32
      %mul3A_433 = arith.muli %mul3A_284, %mul3A_432 : i32
      %add3A_434 = arith.constant 2 : i32
      %add3A_435 = arith.addi %mul3A_433, %add3A_434 : i32
      %add3A_436 = arith.constant 64 : i32
      %add3A_437 = vector.broadcast %add3A_436 : i32 to vector<16xi32>
      %add3A_438 = arith.addi %add3A_437, %iota3A : vector<16xi32>
      %gather3A_439 = tpu.vector_load_idx %arg6[%add3A_438, %broadcast_in_dim3A_431] : memref<256x128xf32, #tpu.memory_space<vmem>>[vector<16xi32>, vector<16xi32>], vector<16xf32>,
      %add3A_440 = arith.constant 0 : i32
      %add3A_441 = vector.broadcast %add3A_440 : i32 to vector<16xi32>
      %add3A_442 = arith.addi %add3A_441, %iota3A : vector<16xi32>
      %broadcast_in_dim3A_443 = vector.broadcast %add3A_435 : i32 to vector<16xi32>
      tpu.vector_store_idx %arg8[%add3A_442, %broadcast_in_dim3A_443], %gather3A_439 : memref<32x512xf32, #tpu.memory_space<vmem>>[vector<16xi32>, vector<16xi32>], vector<16xf32>,
      %add3A_444 = arith.constant 80 : i32
      %add3A_445 = vector.broadcast %add3A_444 : i32 to vector<16xi32>
      %add3A_446 = arith.addi %add3A_445, %iota3A : vector<16xi32>
      %gather3A_447 = tpu.vector_load_idx %arg6[%add3A_446, %broadcast_in_dim3A_431] : memref<256x128xf32, #tpu.memory_space<vmem>>[vector<16xi32>, vector<16xi32>], vector<16xf32>,
      %add3A_448 = arith.constant 16 : i32
      %add3A_449 = vector.broadcast %add3A_448 : i32 to vector<16xi32>
      %add3A_450 = arith.addi %add3A_449, %iota3A : vector<16xi32>
      %broadcast_in_dim3A_451 = vector.broadcast %add3A_435 : i32 to vector<16xi32>
      tpu.vector_store_idx %arg8[%add3A_450, %broadcast_in_dim3A_451], %gather3A_447 : memref<32x512xf32, #tpu.memory_space<vmem>>[vector<16xi32>, vector<16xi32>], vector<16xf32>,
      %slice3A_452 = vector.extract_strided_slice %get3A_146 {offsets = [3], sizes = [1], strides = [1]} : vector<16xi32> to vector<1xi32>
      %squeeze3A_453 = vector.extract %slice3A_452[0] : i32 from vector<1xi32>
      %and3A_454 = arith.constant 127 : i32
      %and3A_455 = arith.andi %squeeze3A_453, %and3A_454 : i32
      %broadcast_in_dim3A_456 = vector.broadcast %and3A_455 : i32 to vector<16xi32>
      %mul3A_457 = arith.constant 8 : i32
      %mul3A_458 = arith.muli %mul3A_284, %mul3A_457 : i32
      %add3A_459 = arith.constant 3 : i32
      %add3A_460 = arith.addi %mul3A_458, %add3A_459 : i32
      %add3A_461 = arith.constant 96 : i32
      %add3A_462 = vector.broadcast %add3A_461 : i32 to vector<16xi32>
      %add3A_463 = arith.addi %add3A_462, %iota3A : vector<16xi32>
      %gather3A_464 = tpu.vector_load_idx %arg6[%add3A_463, %broadcast_in_dim3A_456] : memref<256x128xf32, #tpu.memory_space<vmem>>[vector<16xi32>, vector<16xi32>], vector<16xf32>,
      %add3A_465 = arith.constant 0 : i32
      %add3A_466 = vector.broadcast %add3A_465 : i32 to vector<16xi32>
      %add3A_467 = arith.addi %add3A_466, %iota3A : vector<16xi32>
      %broadcast_in_dim3A_468 = vector.broadcast %add3A_460 : i32 to vector<16xi32>
      tpu.vector_store_idx %arg8[%add3A_467, %broadcast_in_dim3A_468], %gather3A_464 : memref<32x512xf32, #tpu.memory_space<vmem>>[vector<16xi32>, vector<16xi32>], vector<16xf32>,
      %add3A_469 = arith.constant 112 : i32
      %add3A_470 = vector.broadcast %add3A_469 : i32 to vector<16xi32>
      %add3A_471 = arith.addi %add3A_470, %iota3A : vector<16xi32>
      %gather3A_472 = tpu.vector_load_idx %arg6[%add3A_471, %broadcast_in_dim3A_456] : memref<256x128xf32, #tpu.memory_space<vmem>>[vector<16xi32>, vector<16xi32>], vector<16xf32>,
      %add3A_473 = arith.constant 16 : i32
      %add3A_474 = vector.broadcast %add3A_473 : i32 to vector<16xi32>
      %add3A_475 = arith.addi %add3A_474, %iota3A : vector<16xi32>
      %broadcast_in_dim3A_476 = vector.broadcast %add3A_460 : i32 to vector<16xi32>
      tpu.vector_store_idx %arg8[%add3A_475, %broadcast_in_dim3A_476], %gather3A_472 : memref<32x512xf32, #tpu.memory_space<vmem>>[vector<16xi32>, vector<16xi32>], vector<16xf32>,
      %slice3A_477 = vector.extract_strided_slice %get3A_146 {offsets = [4], sizes = [1], strides = [1]} : vector<16xi32> to vector<1xi32>
      %squeeze3A_478 = vector.extract %slice3A_477[0] : i32 from vector<1xi32>
      %and3A_479 = arith.constant 127 : i32
      %and3A_480 = arith.andi %squeeze3A_478, %and3A_479 : i32
      %broadcast_in_dim3A_481 = vector.broadcast %and3A_480 : i32 to vector<16xi32>
      %mul3A_482 = arith.constant 8 : i32
      %mul3A_483 = arith.muli %mul3A_284, %mul3A_482 : i32
      %add3A_484 = arith.constant 4 : i32
      %add3A_485 = arith.addi %mul3A_483, %add3A_484 : i32
      %add3A_486 = arith.constant 128 : i32
      %add3A_487 = vector.broadcast %add3A_486 : i32 to vector<16xi32>
      %add3A_488 = arith.addi %add3A_487, %iota3A : vector<16xi32>
      %gather3A_489 = tpu.vector_load_idx %arg6[%add3A_488, %broadcast_in_dim3A_481] : memref<256x128xf32, #tpu.memory_space<vmem>>[vector<16xi32>, vector<16xi32>], vector<16xf32>,
      %add3A_490 = arith.constant 0 : i32
      %add3A_491 = vector.broadcast %add3A_490 : i32 to vector<16xi32>
      %add3A_492 = arith.addi %add3A_491, %iota3A : vector<16xi32>
      %broadcast_in_dim3A_493 = vector.broadcast %add3A_485 : i32 to vector<16xi32>
      tpu.vector_store_idx %arg8[%add3A_492, %broadcast_in_dim3A_493], %gather3A_489 : memref<32x512xf32, #tpu.memory_space<vmem>>[vector<16xi32>, vector<16xi32>], vector<16xf32>,
      %add3A_494 = arith.constant 144 : i32
      %add3A_495 = vector.broadcast %add3A_494 : i32 to vector<16xi32>
      %add3A_496 = arith.addi %add3A_495, %iota3A : vector<16xi32>
      %gather3A_497 = tpu.vector_load_idx %arg6[%add3A_496, %broadcast_in_dim3A_481] : memref<256x128xf32, #tpu.memory_space<vmem>>[vector<16xi32>, vector<16xi32>], vector<16xf32>,
      %add3A_498 = arith.constant 16 : i32
      %add3A_499 = vector.broadcast %add3A_498 : i32 to vector<16xi32>
      %add3A_500 = arith.addi %add3A_499, %iota3A : vector<16xi32>
      %broadcast_in_dim3A_501 = vector.broadcast %add3A_485 : i32 to vector<16xi32>
      tpu.vector_store_idx %arg8[%add3A_500, %broadcast_in_dim3A_501], %gather3A_497 : memref<32x512xf32, #tpu.memory_space<vmem>>[vector<16xi32>, vector<16xi32>], vector<16xf32>,
      %slice3A_502 = vector.extract_strided_slice %get3A_146 {offsets = [5], sizes = [1], strides = [1]} : vector<16xi32> to vector<1xi32>
      %squeeze3A_503 = vector.extract %slice3A_502[0] : i32 from vector<1xi32>
      %and3A_504 = arith.constant 127 : i32
      %and3A_505 = arith.andi %squeeze3A_503, %and3A_504 : i32
      %broadcast_in_dim3A_506 = vector.broadcast %and3A_505 : i32 to vector<16xi32>
      %mul3A_507 = arith.constant 8 : i32
      %mul3A_508 = arith.muli %mul3A_284, %mul3A_507 : i32
      %add3A_509 = arith.constant 5 : i32
      %add3A_510 = arith.addi %mul3A_508, %add3A_509 : i32
      %add3A_511 = arith.constant 160 : i32
      %add3A_512 = vector.broadcast %add3A_511 : i32 to vector<16xi32>
      %add3A_513 = arith.addi %add3A_512, %iota3A : vector<16xi32>
      %gather3A_514 = tpu.vector_load_idx %arg6[%add3A_513, %broadcast_in_dim3A_506] : memref<256x128xf32, #tpu.memory_space<vmem>>[vector<16xi32>, vector<16xi32>], vector<16xf32>,
      %add3A_515 = arith.constant 0 : i32
      %add3A_516 = vector.broadcast %add3A_515 : i32 to vector<16xi32>
      %add3A_517 = arith.addi %add3A_516, %iota3A : vector<16xi32>
      %broadcast_in_dim3A_518 = vector.broadcast %add3A_510 : i32 to vector<16xi32>
      tpu.vector_store_idx %arg8[%add3A_517, %broadcast_in_dim3A_518], %gather3A_514 : memref<32x512xf32, #tpu.memory_space<vmem>>[vector<16xi32>, vector<16xi32>], vector<16xf32>,
      %add3A_519 = arith.constant 176 : i32
      %add3A_520 = vector.broadcast %add3A_519 : i32 to vector<16xi32>
      %add3A_521 = arith.addi %add3A_520, %iota3A : vector<16xi32>
      %gather3A_522 = tpu.vector_load_idx %arg6[%add3A_521, %broadcast_in_dim3A_506] : memref<256x128xf32, #tpu.memory_space<vmem>>[vector<16xi32>, vector<16xi32>], vector<16xf32>,
      %add3A_523 = arith.constant 16 : i32
      %add3A_524 = vector.broadcast %add3A_523 : i32 to vector<16xi32>
      %add3A_525 = arith.addi %add3A_524, %iota3A : vector<16xi32>
      %broadcast_in_dim3A_526 = vector.broadcast %add3A_510 : i32 to vector<16xi32>
      tpu.vector_store_idx %arg8[%add3A_525, %broadcast_in_dim3A_526], %gather3A_522 : memref<32x512xf32, #tpu.memory_space<vmem>>[vector<16xi32>, vector<16xi32>], vector<16xf32>,
      %slice3A_527 = vector.extract_strided_slice %get3A_146 {offsets = [6], sizes = [1], strides = [1]} : vector<16xi32> to vector<1xi32>
      %squeeze3A_528 = vector.extract %slice3A_527[0] : i32 from vector<1xi32>
      %and3A_529 = arith.constant 127 : i32
      %and3A_530 = arith.andi %squeeze3A_528, %and3A_529 : i32
      %broadcast_in_dim3A_531 = vector.broadcast %and3A_530 : i32 to vector<16xi32>
      %mul3A_532 = arith.constant 8 : i32
      %mul3A_533 = arith.muli %mul3A_284, %mul3A_532 : i32
      %add3A_534 = arith.constant 6 : i32
      %add3A_535 = arith.addi %mul3A_533, %add3A_534 : i32
      %add3A_536 = arith.constant 192 : i32
      %add3A_537 = vector.broadcast %add3A_536 : i32 to vector<16xi32>
      %add3A_538 = arith.addi %add3A_537, %iota3A : vector<16xi32>
      %gather3A_539 = tpu.vector_load_idx %arg6[%add3A_538, %broadcast_in_dim3A_531] : memref<256x128xf32, #tpu.memory_space<vmem>>[vector<16xi32>, vector<16xi32>], vector<16xf32>,
      %add3A_540 = arith.constant 0 : i32
      %add3A_541 = vector.broadcast %add3A_540 : i32 to vector<16xi32>
      %add3A_542 = arith.addi %add3A_541, %iota3A : vector<16xi32>
      %broadcast_in_dim3A_543 = vector.broadcast %add3A_535 : i32 to vector<16xi32>
      tpu.vector_store_idx %arg8[%add3A_542, %broadcast_in_dim3A_543], %gather3A_539 : memref<32x512xf32, #tpu.memory_space<vmem>>[vector<16xi32>, vector<16xi32>], vector<16xf32>,
      %add3A_544 = arith.constant 208 : i32
      %add3A_545 = vector.broadcast %add3A_544 : i32 to vector<16xi32>
      %add3A_546 = arith.addi %add3A_545, %iota3A : vector<16xi32>
      %gather3A_547 = tpu.vector_load_idx %arg6[%add3A_546, %broadcast_in_dim3A_531] : memref<256x128xf32, #tpu.memory_space<vmem>>[vector<16xi32>, vector<16xi32>], vector<16xf32>,
      %add3A_548 = arith.constant 16 : i32
      %add3A_549 = vector.broadcast %add3A_548 : i32 to vector<16xi32>
      %add3A_550 = arith.addi %add3A_549, %iota3A : vector<16xi32>
      %broadcast_in_dim3A_551 = vector.broadcast %add3A_535 : i32 to vector<16xi32>
      tpu.vector_store_idx %arg8[%add3A_550, %broadcast_in_dim3A_551], %gather3A_547 : memref<32x512xf32, #tpu.memory_space<vmem>>[vector<16xi32>, vector<16xi32>], vector<16xf32>,
      %slice3A_552 = vector.extract_strided_slice %get3A_146 {offsets = [7], sizes = [1], strides = [1]} : vector<16xi32> to vector<1xi32>
      %squeeze3A_553 = vector.extract %slice3A_552[0] : i32 from vector<1xi32>
      %and3A_554 = arith.constant 127 : i32
      %and3A_555 = arith.andi %squeeze3A_553, %and3A_554 : i32
      %broadcast_in_dim3A_556 = vector.broadcast %and3A_555 : i32 to vector<16xi32>
      %mul3A_557 = arith.constant 8 : i32
      %mul3A_558 = arith.muli %mul3A_284, %mul3A_557 : i32
      %add3A_559 = arith.constant 7 : i32
      %add3A_560 = arith.addi %mul3A_558, %add3A_559 : i32
      %add3A_561 = arith.constant 224 : i32
      %add3A_562 = vector.broadcast %add3A_561 : i32 to vector<16xi32>
      %add3A_563 = arith.addi %add3A_562, %iota3A : vector<16xi32>
      %gather3A_564 = tpu.vector_load_idx %arg6[%add3A_563, %broadcast_in_dim3A_556] : memref<256x128xf32, #tpu.memory_space<vmem>>[vector<16xi32>, vector<16xi32>], vector<16xf32>,
      %add3A_565 = arith.constant 0 : i32
      %add3A_566 = vector.broadcast %add3A_565 : i32 to vector<16xi32>
      %add3A_567 = arith.addi %add3A_566, %iota3A : vector<16xi32>
      %broadcast_in_dim3A_568 = vector.broadcast %add3A_560 : i32 to vector<16xi32>
      tpu.vector_store_idx %arg8[%add3A_567, %broadcast_in_dim3A_568], %gather3A_564 : memref<32x512xf32, #tpu.memory_space<vmem>>[vector<16xi32>, vector<16xi32>], vector<16xf32>,
      %add3A_569 = arith.constant 240 : i32
      %add3A_570 = vector.broadcast %add3A_569 : i32 to vector<16xi32>
      %add3A_571 = arith.addi %add3A_570, %iota3A : vector<16xi32>
      %gather3A_572 = tpu.vector_load_idx %arg6[%add3A_571, %broadcast_in_dim3A_556] : memref<256x128xf32, #tpu.memory_space<vmem>>[vector<16xi32>, vector<16xi32>], vector<16xf32>,
      %add3A_573 = arith.constant 16 : i32
      %add3A_574 = vector.broadcast %add3A_573 : i32 to vector<16xi32>
      %add3A_575 = arith.addi %add3A_574, %iota3A : vector<16xi32>
      %broadcast_in_dim3A_576 = vector.broadcast %add3A_560 : i32 to vector<16xi32>
      tpu.vector_store_idx %arg8[%add3A_575, %broadcast_in_dim3A_576], %gather3A_572 : memref<32x512xf32, #tpu.memory_space<vmem>>[vector<16xi32>, vector<16xi32>], vector<16xf32>,
      %lt3A = arith.constant 31 : i32
      %lt3A_577 = arith.cmpi slt, %scan3A_140, %lt3A : i32
      %convert_element_type3A = arith.extui %lt3A_577 : i1 to i32
      %cond3A = arith.constant 0 : i32
      %cond3A_578 = arith.cmpi ne, %convert_element_type3A, %cond3A : i32
      scf.if %cond3A_578 {
        %add3A_879 = arith.constant 1 : i32
        %add3A_880 = arith.addi %scan3A_140, %add3A_879 : i32
        %mul3A_881 = arith.constant 2 : i32
        %mul3A_882 = arith.muli %add3A_880, %mul3A_881 : i32
        %mul3A_883 = arith.constant 8 : i32
        %mul3A_884 = arith.muli %mul3A_882, %mul3A_883 : i32
        %get3A_885 = arith.index_cast %mul3A_884 : i32 to index
        %get3A_886 = tpu.vector_load %arg5[%get3A_885] {strides = array<i32>} : memref<512xi32, #tpu.memory_space<vmem>>, vector<16xi32>,
        %slice3A_887 = vector.extract_strided_slice %get3A_886 {offsets = [0], sizes = [1], strides = [1]} : vector<16xi32> to vector<1xi32>
        %squeeze3A_888 = vector.extract %slice3A_887[0] : i32 from vector<1xi32>
        %shift_right_logical3A_889 = arith.constant 7 : i32
        %shift_right_logical3A_890 = arith.shrui %squeeze3A_888, %shift_right_logical3A_889 : i32
        %shift_left3A_891 = arith.constant 7 : i32
        %shift_left3A_892 = arith.shli %shift_right_logical3A_890, %shift_left3A_891 : i32
        %multiple_of3A_893 = tpu.assume_multiple %shift_left3A_892, 128 : i32
        %dma_start3A_894 = arith.constant 0 : i32
        %dma_start3A_895 = arith.constant 0 : i32
        %dma_start3A_896 = tpu.memref_slice %arg6[%dma_start3A_894, %dma_start3A_895] : memref<256x128xf32, #tpu.memory_space<vmem>> -> memref<32x128xf32, #tpu.memory_space<vmem>>
        %dma_start3A_897 = arith.constant 0 : i32
        %dma_start3A_898 = tpu.memref_slice %arg2[%dma_start3A_897, %multiple_of3A_893] : memref<32x1000000xf32, #tpu.memory_space<hbm>> -> memref<32x128xf32, #tpu.memory_space<hbm>>
        %dma_start3A_899 = arith.constant 0 : i32
        %dma_start3A_900 = arith.constant 0 : i32
        %dma_start3A_901 = tpu.memref_slice %arg6[%dma_start3A_899, %dma_start3A_900] : memref<256x128xf32, #tpu.memory_space<vmem>> -> memref<32x128xf32, #tpu.memory_space<vmem>>
        %dma_start3A_902 = arith.constant 0 : i32
        %dma_start3A_903 = tpu.memref_slice %arg2[%dma_start3A_902, %multiple_of3A_893] : memref<32x1000000xf32, #tpu.memory_space<hbm>> -> memref<32x128xf32, #tpu.memory_space<hbm>>
        tpu.enqueue_dma source(%dma_start3A_903 : memref<32x128xf32, #tpu.memory_space<hbm>>) target(%dma_start3A_901 : memref<32x128xf32, #tpu.memory_space<vmem>>) target_semaphore(%arg9 : memref<!tpu.dma_semaphore, #tpu.memory_space<semaphore_mem>>)
        %slice3A_904 = vector.extract_strided_slice %get3A_886 {offsets = [1], sizes = [1], strides = [1]} : vector<16xi32> to vector<1xi32>
        %squeeze3A_905 = vector.extract %slice3A_904[0] : i32 from vector<1xi32>
        %shift_right_logical3A_906 = arith.constant 7 : i32
        %shift_right_logical3A_907 = arith.shrui %squeeze3A_905, %shift_right_logical3A_906 : i32
        %shift_left3A_908 = arith.constant 7 : i32
        %shift_left3A_909 = arith.shli %shift_right_logical3A_907, %shift_left3A_908 : i32
        %multiple_of3A_910 = tpu.assume_multiple %shift_left3A_909, 128 : i32
        %dma_start3A_911 = arith.constant 32 : i32
        %dma_start3A_912 = arith.constant 0 : i32
        %dma_start3A_913 = tpu.memref_slice %arg6[%dma_start3A_911, %dma_start3A_912] : memref<256x128xf32, #tpu.memory_space<vmem>> -> memref<32x128xf32, #tpu.memory_space<vmem>>
        %dma_start3A_914 = arith.constant 0 : i32
        %dma_start3A_915 = tpu.memref_slice %arg2[%dma_start3A_914, %multiple_of3A_910] : memref<32x1000000xf32, #tpu.memory_space<hbm>> -> memref<32x128xf32, #tpu.memory_space<hbm>>
        %dma_start3A_916 = arith.constant 32 : i32
        %dma_start3A_917 = arith.constant 0 : i32
        %dma_start3A_918 = tpu.memref_slice %arg6[%dma_start3A_916, %dma_start3A_917] : memref<256x128xf32, #tpu.memory_space<vmem>> -> memref<32x128xf32, #tpu.memory_space<vmem>>
        %dma_start3A_919 = arith.constant 0 : i32
        %dma_start3A_920 = tpu.memref_slice %arg2[%dma_start3A_919, %multiple_of3A_910] : memref<32x1000000xf32, #tpu.memory_space<hbm>> -> memref<32x128xf32, #tpu.memory_space<hbm>>
        tpu.enqueue_dma source(%dma_start3A_920 : memref<32x128xf32, #tpu.memory_space<hbm>>) target(%dma_start3A_918 : memref<32x128xf32, #tpu.memory_space<vmem>>) target_semaphore(%arg9 : memref<!tpu.dma_semaphore, #tpu.memory_space<semaphore_mem>>)
        %slice3A_921 = vector.extract_strided_slice %get3A_886 {offsets = [2], sizes = [1], strides = [1]} : vector<16xi32> to vector<1xi32>
        %squeeze3A_922 = vector.extract %slice3A_921[0] : i32 from vector<1xi32>
        %shift_right_logical3A_923 = arith.constant 7 : i32
        %shift_right_logical3A_924 = arith.shrui %squeeze3A_922, %shift_right_logical3A_923 : i32
        %shift_left3A_925 = arith.constant 7 : i32
        %shift_left3A_926 = arith.shli %shift_right_logical3A_924, %shift_left3A_925 : i32
        %multiple_of3A_927 = tpu.assume_multiple %shift_left3A_926, 128 : i32
        %dma_start3A_928 = arith.constant 64 : i32
        %dma_start3A_929 = arith.constant 0 : i32
        %dma_start3A_930 = tpu.memref_slice %arg6[%dma_start3A_928, %dma_start3A_929] : memref<256x128xf32, #tpu.memory_space<vmem>> -> memref<32x128xf32, #tpu.memory_space<vmem>>
        %dma_start3A_931 = arith.constant 0 : i32
        %dma_start3A_932 = tpu.memref_slice %arg2[%dma_start3A_931, %multiple_of3A_927] : memref<32x1000000xf32, #tpu.memory_space<hbm>> -> memref<32x128xf32, #tpu.memory_space<hbm>>
        %dma_start3A_933 = arith.constant 64 : i32
        %dma_start3A_934 = arith.constant 0 : i32
        %dma_start3A_935 = tpu.memref_slice %arg6[%dma_start3A_933, %dma_start3A_934] : memref<256x128xf32, #tpu.memory_space<vmem>> -> memref<32x128xf32, #tpu.memory_space<vmem>>
        %dma_start3A_936 = arith.constant 0 : i32
        %dma_start3A_937 = tpu.memref_slice %arg2[%dma_start3A_936, %multiple_of3A_927] : memref<32x1000000xf32, #tpu.memory_space<hbm>> -> memref<32x128xf32, #tpu.memory_space<hbm>>
        tpu.enqueue_dma source(%dma_start3A_937 : memref<32x128xf32, #tpu.memory_space<hbm>>) target(%dma_start3A_935 : memref<32x128xf32, #tpu.memory_space<vmem>>) target_semaphore(%arg9 : memref<!tpu.dma_semaphore, #tpu.memory_space<semaphore_mem>>)
        %slice3A_938 = vector.extract_strided_slice %get3A_886 {offsets = [3], sizes = [1], strides = [1]} : vector<16xi32> to vector<1xi32>
        %squeeze3A_939 = vector.extract %slice3A_938[0] : i32 from vector<1xi32>
        %shift_right_logical3A_940 = arith.constant 7 : i32
        %shift_right_logical3A_941 = arith.shrui %squeeze3A_939, %shift_right_logical3A_940 : i32
        %shift_left3A_942 = arith.constant 7 : i32
        %shift_left3A_943 = arith.shli %shift_right_logical3A_941, %shift_left3A_942 : i32
        %multiple_of3A_944 = tpu.assume_multiple %shift_left3A_943, 128 : i32
        %dma_start3A_945 = arith.constant 96 : i32
        %dma_start3A_946 = arith.constant 0 : i32
        %dma_start3A_947 = tpu.memref_slice %arg6[%dma_start3A_945, %dma_start3A_946] : memref<256x128xf32, #tpu.memory_space<vmem>> -> memref<32x128xf32, #tpu.memory_space<vmem>>
        %dma_start3A_948 = arith.constant 0 : i32
        %dma_start3A_949 = tpu.memref_slice %arg2[%dma_start3A_948, %multiple_of3A_944] : memref<32x1000000xf32, #tpu.memory_space<hbm>> -> memref<32x128xf32, #tpu.memory_space<hbm>>
        %dma_start3A_950 = arith.constant 96 : i32
        %dma_start3A_951 = arith.constant 0 : i32
        %dma_start3A_952 = tpu.memref_slice %arg6[%dma_start3A_950, %dma_start3A_951] : memref<256x128xf32, #tpu.memory_space<vmem>> -> memref<32x128xf32, #tpu.memory_space<vmem>>
        %dma_start3A_953 = arith.constant 0 : i32
        %dma_start3A_954 = tpu.memref_slice %arg2[%dma_start3A_953, %multiple_of3A_944] : memref<32x1000000xf32, #tpu.memory_space<hbm>> -> memref<32x128xf32, #tpu.memory_space<hbm>>
        tpu.enqueue_dma source(%dma_start3A_954 : memref<32x128xf32, #tpu.memory_space<hbm>>) target(%dma_start3A_952 : memref<32x128xf32, #tpu.memory_space<vmem>>) target_semaphore(%arg9 : memref<!tpu.dma_semaphore, #tpu.memory_space<semaphore_mem>>)
        %slice3A_955 = vector.extract_strided_slice %get3A_886 {offsets = [4], sizes = [1], strides = [1]} : vector<16xi32> to vector<1xi32>
        %squeeze3A_956 = vector.extract %slice3A_955[0] : i32 from vector<1xi32>
        %shift_right_logical3A_957 = arith.constant 7 : i32
        %shift_right_logical3A_958 = arith.shrui %squeeze3A_956, %shift_right_logical3A_957 : i32
        %shift_left3A_959 = arith.constant 7 : i32
        %shift_left3A_960 = arith.shli %shift_right_logical3A_958, %shift_left3A_959 : i32
        %multiple_of3A_961 = tpu.assume_multiple %shift_left3A_960, 128 : i32
        %dma_start3A_962 = arith.constant 128 : i32
        %dma_start3A_963 = arith.constant 0 : i32
        %dma_start3A_964 = tpu.memref_slice %arg6[%dma_start3A_962, %dma_start3A_963] : memref<256x128xf32, #tpu.memory_space<vmem>> -> memref<32x128xf32, #tpu.memory_space<vmem>>
        %dma_start3A_965 = arith.constant 0 : i32
        %dma_start3A_966 = tpu.memref_slice %arg2[%dma_start3A_965, %multiple_of3A_961] : memref<32x1000000xf32, #tpu.memory_space<hbm>> -> memref<32x128xf32, #tpu.memory_space<hbm>>
        %dma_start3A_967 = arith.constant 128 : i32
        %dma_start3A_968 = arith.constant 0 : i32
        %dma_start3A_969 = tpu.memref_slice %arg6[%dma_start3A_967, %dma_start3A_968] : memref<256x128xf32, #tpu.memory_space<vmem>> -> memref<32x128xf32, #tpu.memory_space<vmem>>
        %dma_start3A_970 = arith.constant 0 : i32
        %dma_start3A_971 = tpu.memref_slice %arg2[%dma_start3A_970, %multiple_of3A_961] : memref<32x1000000xf32, #tpu.memory_space<hbm>> -> memref<32x128xf32, #tpu.memory_space<hbm>>
        tpu.enqueue_dma source(%dma_start3A_971 : memref<32x128xf32, #tpu.memory_space<hbm>>) target(%dma_start3A_969 : memref<32x128xf32, #tpu.memory_space<vmem>>) target_semaphore(%arg9 : memref<!tpu.dma_semaphore, #tpu.memory_space<semaphore_mem>>)
        %slice3A_972 = vector.extract_strided_slice %get3A_886 {offsets = [5], sizes = [1], strides = [1]} : vector<16xi32> to vector<1xi32>
        %squeeze3A_973 = vector.extract %slice3A_972[0] : i32 from vector<1xi32>
        %shift_right_logical3A_974 = arith.constant 7 : i32
        %shift_right_logical3A_975 = arith.shrui %squeeze3A_973, %shift_right_logical3A_974 : i32
        %shift_left3A_976 = arith.constant 7 : i32
        %shift_left3A_977 = arith.shli %shift_right_logical3A_975, %shift_left3A_976 : i32
        %multiple_of3A_978 = tpu.assume_multiple %shift_left3A_977, 128 : i32
        %dma_start3A_979 = arith.constant 160 : i32
        %dma_start3A_980 = arith.constant 0 : i32
        %dma_start3A_981 = tpu.memref_slice %arg6[%dma_start3A_979, %dma_start3A_980] : memref<256x128xf32, #tpu.memory_space<vmem>> -> memref<32x128xf32, #tpu.memory_space<vmem>>
        %dma_start3A_982 = arith.constant 0 : i32
        %dma_start3A_983 = tpu.memref_slice %arg2[%dma_start3A_982, %multiple_of3A_978] : memref<32x1000000xf32, #tpu.memory_space<hbm>> -> memref<32x128xf32, #tpu.memory_space<hbm>>
        %dma_start3A_984 = arith.constant 160 : i32
        %dma_start3A_985 = arith.constant 0 : i32
        %dma_start3A_986 = tpu.memref_slice %arg6[%dma_start3A_984, %dma_start3A_985] : memref<256x128xf32, #tpu.memory_space<vmem>> -> memref<32x128xf32, #tpu.memory_space<vmem>>
        %dma_start3A_987 = arith.constant 0 : i32
        %dma_start3A_988 = tpu.memref_slice %arg2[%dma_start3A_987, %multiple_of3A_978] : memref<32x1000000xf32, #tpu.memory_space<hbm>> -> memref<32x128xf32, #tpu.memory_space<hbm>>
        tpu.enqueue_dma source(%dma_start3A_988 : memref<32x128xf32, #tpu.memory_space<hbm>>) target(%dma_start3A_986 : memref<32x128xf32, #tpu.memory_space<vmem>>) target_semaphore(%arg9 : memref<!tpu.dma_semaphore, #tpu.memory_space<semaphore_mem>>)
        %slice3A_989 = vector.extract_strided_slice %get3A_886 {offsets = [6], sizes = [1], strides = [1]} : vector<16xi32> to vector<1xi32>
        %squeeze3A_990 = vector.extract %slice3A_989[0] : i32 from vector<1xi32>
        %shift_right_logical3A_991 = arith.constant 7 : i32
        %shift_right_logical3A_992 = arith.shrui %squeeze3A_990, %shift_right_logical3A_991 : i32
        %shift_left3A_993 = arith.constant 7 : i32
        %shift_left3A_994 = arith.shli %shift_right_logical3A_992, %shift_left3A_993 : i32
        %multiple_of3A_995 = tpu.assume_multiple %shift_left3A_994, 128 : i32
        %dma_start3A_996 = arith.constant 192 : i32
        %dma_start3A_997 = arith.constant 0 : i32
        %dma_start3A_998 = tpu.memref_slice %arg6[%dma_start3A_996, %dma_start3A_997] : memref<256x128xf32, #tpu.memory_space<vmem>> -> memref<32x128xf32, #tpu.memory_space<vmem>>
        %dma_start3A_999 = arith.constant 0 : i32
        %dma_start3A_1000 = tpu.memref_slice %arg2[%dma_start3A_999, %multiple_of3A_995] : memref<32x1000000xf32, #tpu.memory_space<hbm>> -> memref<32x128xf32, #tpu.memory_space<hbm>>
        %dma_start3A_1001 = arith.constant 192 : i32
        %dma_start3A_1002 = arith.constant 0 : i32
        %dma_start3A_1003 = tpu.memref_slice %arg6[%dma_start3A_1001, %dma_start3A_1002] : memref<256x128xf32, #tpu.memory_space<vmem>> -> memref<32x128xf32, #tpu.memory_space<vmem>>
        %dma_start3A_1004 = arith.constant 0 : i32
        %dma_start3A_1005 = tpu.memref_slice %arg2[%dma_start3A_1004, %multiple_of3A_995] : memref<32x1000000xf32, #tpu.memory_space<hbm>> -> memref<32x128xf32, #tpu.memory_space<hbm>>
        tpu.enqueue_dma source(%dma_start3A_1005 : memref<32x128xf32, #tpu.memory_space<hbm>>) target(%dma_start3A_1003 : memref<32x128xf32, #tpu.memory_space<vmem>>) target_semaphore(%arg9 : memref<!tpu.dma_semaphore, #tpu.memory_space<semaphore_mem>>)
        %slice3A_1006 = vector.extract_strided_slice %get3A_886 {offsets = [7], sizes = [1], strides = [1]} : vector<16xi32> to vector<1xi32>
        %squeeze3A_1007 = vector.extract %slice3A_1006[0] : i32 from vector<1xi32>
        %shift_right_logical3A_1008 = arith.constant 7 : i32
        %shift_right_logical3A_1009 = arith.shrui %squeeze3A_1007, %shift_right_logical3A_1008 : i32
        %shift_left3A_1010 = arith.constant 7 : i32
        %shift_left3A_1011 = arith.shli %shift_right_logical3A_1009, %shift_left3A_1010 : i32
        %multiple_of3A_1012 = tpu.assume_multiple %shift_left3A_1011, 128 : i32
        %dma_start3A_1013 = arith.constant 224 : i32
        %dma_start3A_1014 = arith.constant 0 : i32
        %dma_start3A_1015 = tpu.memref_slice %arg6[%dma_start3A_1013, %dma_start3A_1014] : memref<256x128xf32, #tpu.memory_space<vmem>> -> memref<32x128xf32, #tpu.memory_space<vmem>>
        %dma_start3A_1016 = arith.constant 0 : i32
        %dma_start3A_1017 = tpu.memref_slice %arg2[%dma_start3A_1016, %multiple_of3A_1012] : memref<32x1000000xf32, #tpu.memory_space<hbm>> -> memref<32x128xf32, #tpu.memory_space<hbm>>
        %dma_start3A_1018 = arith.constant 224 : i32
        %dma_start3A_1019 = arith.constant 0 : i32
        %dma_start3A_1020 = tpu.memref_slice %arg6[%dma_start3A_1018, %dma_start3A_1019] : memref<256x128xf32, #tpu.memory_space<vmem>> -> memref<32x128xf32, #tpu.memory_space<vmem>>
        %dma_start3A_1021 = arith.constant 0 : i32
        %dma_start3A_1022 = tpu.memref_slice %arg2[%dma_start3A_1021, %multiple_of3A_1012] : memref<32x1000000xf32, #tpu.memory_space<hbm>> -> memref<32x128xf32, #tpu.memory_space<hbm>>
        tpu.enqueue_dma source(%dma_start3A_1022 : memref<32x128xf32, #tpu.memory_space<hbm>>) target(%dma_start3A_1020 : memref<32x128xf32, #tpu.memory_space<vmem>>) target_semaphore(%arg9 : memref<!tpu.dma_semaphore, #tpu.memory_space<semaphore_mem>>)
      } else {
      }
      %mul3A_579 = arith.constant 2 : i32
      %mul3A_580 = arith.muli %scan3A_140, %mul3A_579 : i32
      %add3A_581 = arith.constant 1 : i32
      %add3A_582 = arith.addi %mul3A_580, %add3A_581 : i32
      %dma_wait3A_583 = arith.constant 0 : i32
      %dma_wait3A_584 = arith.constant 0 : i32
      %dma_wait3A_585 = tpu.memref_slice %arg7[%dma_wait3A_583, %dma_wait3A_584] : memref<256x128xf32, #tpu.memory_space<vmem>> -> memref<32x128xf32, #tpu.memory_space<vmem>>
      %dma_wait3A_586 = arith.constant 0 : i32
      %dma_wait3A_587 = arith.constant 0 : i32
      %dma_wait3A_588 = tpu.memref_slice %arg2[%dma_wait3A_586, %dma_wait3A_587] : memref<32x1000000xf32, #tpu.memory_space<hbm>> -> memref<32x128xf32, #tpu.memory_space<hbm>>
      %dma_wait3A_589 = arith.constant 0 : i32
      %dma_wait3A_590 = arith.constant 0 : i32
      %dma_wait3A_591 = tpu.memref_slice %arg7[%dma_wait3A_589, %dma_wait3A_590] : memref<256x128xf32, #tpu.memory_space<vmem>> -> memref<32x128xf32, #tpu.memory_space<vmem>>
      %dma_wait3A_592 = arith.constant 0 : i32
      %dma_wait3A_593 = arith.constant 0 : i32
      %dma_wait3A_594 = tpu.memref_slice %arg2[%dma_wait3A_592, %dma_wait3A_593] : memref<32x1000000xf32, #tpu.memory_space<hbm>> -> memref<32x128xf32, #tpu.memory_space<hbm>>
      tpu.wait_dma2 semaphore(%arg10 : memref<!tpu.dma_semaphore, #tpu.memory_space<semaphore_mem>>) src(%dma_wait3A_594 : memref<32x128xf32, #tpu.memory_space<hbm>>) dst(%dma_wait3A_591 : memref<32x128xf32, #tpu.memory_space<vmem>>)
      %dma_wait3A_595 = arith.constant 32 : i32
      %dma_wait3A_596 = arith.constant 0 : i32
      %dma_wait3A_597 = tpu.memref_slice %arg7[%dma_wait3A_595, %dma_wait3A_596] : memref<256x128xf32, #tpu.memory_space<vmem>> -> memref<32x128xf32, #tpu.memory_space<vmem>>
      %dma_wait3A_598 = arith.constant 0 : i32
      %dma_wait3A_599 = arith.constant 0 : i32
      %dma_wait3A_600 = tpu.memref_slice %arg2[%dma_wait3A_598, %dma_wait3A_599] : memref<32x1000000xf32, #tpu.memory_space<hbm>> -> memref<32x128xf32, #tpu.memory_space<hbm>>
      %dma_wait3A_601 = arith.constant 32 : i32
      %dma_wait3A_602 = arith.constant 0 : i32
      %dma_wait3A_603 = tpu.memref_slice %arg7[%dma_wait3A_601, %dma_wait3A_602] : memref<256x128xf32, #tpu.memory_space<vmem>> -> memref<32x128xf32, #tpu.memory_space<vmem>>
      %dma_wait3A_604 = arith.constant 0 : i32
      %dma_wait3A_605 = arith.constant 0 : i32
      %dma_wait3A_606 = tpu.memref_slice %arg2[%dma_wait3A_604, %dma_wait3A_605] : memref<32x1000000xf32, #tpu.memory_space<hbm>> -> memref<32x128xf32, #tpu.memory_space<hbm>>
      tpu.wait_dma2 semaphore(%arg10 : memref<!tpu.dma_semaphore, #tpu.memory_space<semaphore_mem>>) src(%dma_wait3A_606 : memref<32x128xf32, #tpu.memory_space<hbm>>) dst(%dma_wait3A_603 : memref<32x128xf32, #tpu.memory_space<vmem>>)
      %dma_wait3A_607 = arith.constant 64 : i32
      %dma_wait3A_608 = arith.constant 0 : i32
      %dma_wait3A_609 = tpu.memref_slice %arg7[%dma_wait3A_607, %dma_wait3A_608] : memref<256x128xf32, #tpu.memory_space<vmem>> -> memref<32x128xf32, #tpu.memory_space<vmem>>
      %dma_wait3A_610 = arith.constant 0 : i32
      %dma_wait3A_611 = arith.constant 0 : i32
      %dma_wait3A_612 = tpu.memref_slice %arg2[%dma_wait3A_610, %dma_wait3A_611] : memref<32x1000000xf32, #tpu.memory_space<hbm>> -> memref<32x128xf32, #tpu.memory_space<hbm>>
      %dma_wait3A_613 = arith.constant 64 : i32
      %dma_wait3A_614 = arith.constant 0 : i32
      %dma_wait3A_615 = tpu.memref_slice %arg7[%dma_wait3A_613, %dma_wait3A_614] : memref<256x128xf32, #tpu.memory_space<vmem>> -> memref<32x128xf32, #tpu.memory_space<vmem>>
      %dma_wait3A_616 = arith.constant 0 : i32
      %dma_wait3A_617 = arith.constant 0 : i32
      %dma_wait3A_618 = tpu.memref_slice %arg2[%dma_wait3A_616, %dma_wait3A_617] : memref<32x1000000xf32, #tpu.memory_space<hbm>> -> memref<32x128xf32, #tpu.memory_space<hbm>>
      tpu.wait_dma2 semaphore(%arg10 : memref<!tpu.dma_semaphore, #tpu.memory_space<semaphore_mem>>) src(%dma_wait3A_618 : memref<32x128xf32, #tpu.memory_space<hbm>>) dst(%dma_wait3A_615 : memref<32x128xf32, #tpu.memory_space<vmem>>)
      %dma_wait3A_619 = arith.constant 96 : i32
      %dma_wait3A_620 = arith.constant 0 : i32
      %dma_wait3A_621 = tpu.memref_slice %arg7[%dma_wait3A_619, %dma_wait3A_620] : memref<256x128xf32, #tpu.memory_space<vmem>> -> memref<32x128xf32, #tpu.memory_space<vmem>>
      %dma_wait3A_622 = arith.constant 0 : i32
      %dma_wait3A_623 = arith.constant 0 : i32
      %dma_wait3A_624 = tpu.memref_slice %arg2[%dma_wait3A_622, %dma_wait3A_623] : memref<32x1000000xf32, #tpu.memory_space<hbm>> -> memref<32x128xf32, #tpu.memory_space<hbm>>
      %dma_wait3A_625 = arith.constant 96 : i32
      %dma_wait3A_626 = arith.constant 0 : i32
      %dma_wait3A_627 = tpu.memref_slice %arg7[%dma_wait3A_625, %dma_wait3A_626] : memref<256x128xf32, #tpu.memory_space<vmem>> -> memref<32x128xf32, #tpu.memory_space<vmem>>
      %dma_wait3A_628 = arith.constant 0 : i32
      %dma_wait3A_629 = arith.constant 0 : i32
      %dma_wait3A_630 = tpu.memref_slice %arg2[%dma_wait3A_628, %dma_wait3A_629] : memref<32x1000000xf32, #tpu.memory_space<hbm>> -> memref<32x128xf32, #tpu.memory_space<hbm>>
      tpu.wait_dma2 semaphore(%arg10 : memref<!tpu.dma_semaphore, #tpu.memory_space<semaphore_mem>>) src(%dma_wait3A_630 : memref<32x128xf32, #tpu.memory_space<hbm>>) dst(%dma_wait3A_627 : memref<32x128xf32, #tpu.memory_space<vmem>>)
      %dma_wait3A_631 = arith.constant 128 : i32
      %dma_wait3A_632 = arith.constant 0 : i32
      %dma_wait3A_633 = tpu.memref_slice %arg7[%dma_wait3A_631, %dma_wait3A_632] : memref<256x128xf32, #tpu.memory_space<vmem>> -> memref<32x128xf32, #tpu.memory_space<vmem>>
      %dma_wait3A_634 = arith.constant 0 : i32
      %dma_wait3A_635 = arith.constant 0 : i32
      %dma_wait3A_636 = tpu.memref_slice %arg2[%dma_wait3A_634, %dma_wait3A_635] : memref<32x1000000xf32, #tpu.memory_space<hbm>> -> memref<32x128xf32, #tpu.memory_space<hbm>>
      %dma_wait3A_637 = arith.constant 128 : i32
      %dma_wait3A_638 = arith.constant 0 : i32
      %dma_wait3A_639 = tpu.memref_slice %arg7[%dma_wait3A_637, %dma_wait3A_638] : memref<256x128xf32, #tpu.memory_space<vmem>> -> memref<32x128xf32, #tpu.memory_space<vmem>>
      %dma_wait3A_640 = arith.constant 0 : i32
      %dma_wait3A_641 = arith.constant 0 : i32
      %dma_wait3A_642 = tpu.memref_slice %arg2[%dma_wait3A_640, %dma_wait3A_641] : memref<32x1000000xf32, #tpu.memory_space<hbm>> -> memref<32x128xf32, #tpu.memory_space<hbm>>
      tpu.wait_dma2 semaphore(%arg10 : memref<!tpu.dma_semaphore, #tpu.memory_space<semaphore_mem>>) src(%dma_wait3A_642 : memref<32x128xf32, #tpu.memory_space<hbm>>) dst(%dma_wait3A_639 : memref<32x128xf32, #tpu.memory_space<vmem>>)
      %dma_wait3A_643 = arith.constant 160 : i32
      %dma_wait3A_644 = arith.constant 0 : i32
      %dma_wait3A_645 = tpu.memref_slice %arg7[%dma_wait3A_643, %dma_wait3A_644] : memref<256x128xf32, #tpu.memory_space<vmem>> -> memref<32x128xf32, #tpu.memory_space<vmem>>
      %dma_wait3A_646 = arith.constant 0 : i32
      %dma_wait3A_647 = arith.constant 0 : i32
      %dma_wait3A_648 = tpu.memref_slice %arg2[%dma_wait3A_646, %dma_wait3A_647] : memref<32x1000000xf32, #tpu.memory_space<hbm>> -> memref<32x128xf32, #tpu.memory_space<hbm>>
      %dma_wait3A_649 = arith.constant 160 : i32
      %dma_wait3A_650 = arith.constant 0 : i32
      %dma_wait3A_651 = tpu.memref_slice %arg7[%dma_wait3A_649, %dma_wait3A_650] : memref<256x128xf32, #tpu.memory_space<vmem>> -> memref<32x128xf32, #tpu.memory_space<vmem>>
      %dma_wait3A_652 = arith.constant 0 : i32
      %dma_wait3A_653 = arith.constant 0 : i32
      %dma_wait3A_654 = tpu.memref_slice %arg2[%dma_wait3A_652, %dma_wait3A_653] : memref<32x1000000xf32, #tpu.memory_space<hbm>> -> memref<32x128xf32, #tpu.memory_space<hbm>>
      tpu.wait_dma2 semaphore(%arg10 : memref<!tpu.dma_semaphore, #tpu.memory_space<semaphore_mem>>) src(%dma_wait3A_654 : memref<32x128xf32, #tpu.memory_space<hbm>>) dst(%dma_wait3A_651 : memref<32x128xf32, #tpu.memory_space<vmem>>)
      %dma_wait3A_655 = arith.constant 192 : i32
      %dma_wait3A_656 = arith.constant 0 : i32
      %dma_wait3A_657 = tpu.memref_slice %arg7[%dma_wait3A_655, %dma_wait3A_656] : memref<256x128xf32, #tpu.memory_space<vmem>> -> memref<32x128xf32, #tpu.memory_space<vmem>>
      %dma_wait3A_658 = arith.constant 0 : i32
      %dma_wait3A_659 = arith.constant 0 : i32
      %dma_wait3A_660 = tpu.memref_slice %arg2[%dma_wait3A_658, %dma_wait3A_659] : memref<32x1000000xf32, #tpu.memory_space<hbm>> -> memref<32x128xf32, #tpu.memory_space<hbm>>
      %dma_wait3A_661 = arith.constant 192 : i32
      %dma_wait3A_662 = arith.constant 0 : i32
      %dma_wait3A_663 = tpu.memref_slice %arg7[%dma_wait3A_661, %dma_wait3A_662] : memref<256x128xf32, #tpu.memory_space<vmem>> -> memref<32x128xf32, #tpu.memory_space<vmem>>
      %dma_wait3A_664 = arith.constant 0 : i32
      %dma_wait3A_665 = arith.constant 0 : i32
      %dma_wait3A_666 = tpu.memref_slice %arg2[%dma_wait3A_664, %dma_wait3A_665] : memref<32x1000000xf32, #tpu.memory_space<hbm>> -> memref<32x128xf32, #tpu.memory_space<hbm>>
      tpu.wait_dma2 semaphore(%arg10 : memref<!tpu.dma_semaphore, #tpu.memory_space<semaphore_mem>>) src(%dma_wait3A_666 : memref<32x128xf32, #tpu.memory_space<hbm>>) dst(%dma_wait3A_663 : memref<32x128xf32, #tpu.memory_space<vmem>>)
      %dma_wait3A_667 = arith.constant 224 : i32
      %dma_wait3A_668 = arith.constant 0 : i32
      %dma_wait3A_669 = tpu.memref_slice %arg7[%dma_wait3A_667, %dma_wait3A_668] : memref<256x128xf32, #tpu.memory_space<vmem>> -> memref<32x128xf32, #tpu.memory_space<vmem>>
      %dma_wait3A_670 = arith.constant 0 : i32
      %dma_wait3A_671 = arith.constant 0 : i32
      %dma_wait3A_672 = tpu.memref_slice %arg2[%dma_wait3A_670, %dma_wait3A_671] : memref<32x1000000xf32, #tpu.memory_space<hbm>> -> memref<32x128xf32, #tpu.memory_space<hbm>>
      %dma_wait3A_673 = arith.constant 224 : i32
      %dma_wait3A_674 = arith.constant 0 : i32
      %dma_wait3A_675 = tpu.memref_slice %arg7[%dma_wait3A_673, %dma_wait3A_674] : memref<256x128xf32, #tpu.memory_space<vmem>> -> memref<32x128xf32, #tpu.memory_space<vmem>>
      %dma_wait3A_676 = arith.constant 0 : i32
      %dma_wait3A_677 = arith.constant 0 : i32
      %dma_wait3A_678 = tpu.memref_slice %arg2[%dma_wait3A_676, %dma_wait3A_677] : memref<32x1000000xf32, #tpu.memory_space<hbm>> -> memref<32x128xf32, #tpu.memory_space<hbm>>
      tpu.wait_dma2 semaphore(%arg10 : memref<!tpu.dma_semaphore, #tpu.memory_space<semaphore_mem>>) src(%dma_wait3A_678 : memref<32x128xf32, #tpu.memory_space<hbm>>) dst(%dma_wait3A_675 : memref<32x128xf32, #tpu.memory_space<vmem>>)
      %slice3A_679 = vector.extract_strided_slice %get3A_146 {offsets = [8], sizes = [1], strides = [1]} : vector<16xi32> to vector<1xi32>
      %squeeze3A_680 = vector.extract %slice3A_679[0] : i32 from vector<1xi32>
      %and3A_681 = arith.constant 127 : i32
      %and3A_682 = arith.andi %squeeze3A_680, %and3A_681 : i32
      %broadcast_in_dim3A_683 = vector.broadcast %and3A_682 : i32 to vector<16xi32>
      %mul3A_684 = arith.constant 8 : i32
      %mul3A_685 = arith.muli %add3A_582, %mul3A_684 : i32
      %add3A_686 = arith.constant 0 : i32
      %add3A_687 = arith.addi %mul3A_685, %add3A_686 : i32
      %add3A_688 = arith.constant 0 : i32
      %add3A_689 = vector.broadcast %add3A_688 : i32 to vector<16xi32>
      %add3A_690 = arith.addi %add3A_689, %iota3A : vector<16xi32>
      %gather3A_691 = tpu.vector_load_idx %arg7[%add3A_690, %broadcast_in_dim3A_683] : memref<256x128xf32, #tpu.memory_space<vmem>>[vector<16xi32>, vector<16xi32>], vector<16xf32>,
      %add3A_692 = arith.constant 0 : i32
      %add3A_693 = vector.broadcast %add3A_692 : i32 to vector<16xi32>
      %add3A_694 = arith.addi %add3A_693, %iota3A : vector<16xi32>
      %broadcast_in_dim3A_695 = vector.broadcast %add3A_687 : i32 to vector<16xi32>
      tpu.vector_store_idx %arg8[%add3A_694, %broadcast_in_dim3A_695], %gather3A_691 : memref<32x512xf32, #tpu.memory_space<vmem>>[vector<16xi32>, vector<16xi32>], vector<16xf32>,
      %add3A_696 = arith.constant 16 : i32
      %add3A_697 = vector.broadcast %add3A_696 : i32 to vector<16xi32>
      %add3A_698 = arith.addi %add3A_697, %iota3A : vector<16xi32>
      %gather3A_699 = tpu.vector_load_idx %arg7[%add3A_698, %broadcast_in_dim3A_683] : memref<256x128xf32, #tpu.memory_space<vmem>>[vector<16xi32>, vector<16xi32>], vector<16xf32>,
      %add3A_700 = arith.constant 16 : i32
      %add3A_701 = vector.broadcast %add3A_700 : i32 to vector<16xi32>
      %add3A_702 = arith.addi %add3A_701, %iota3A : vector<16xi32>
      %broadcast_in_dim3A_703 = vector.broadcast %add3A_687 : i32 to vector<16xi32>
      tpu.vector_store_idx %arg8[%add3A_702, %broadcast_in_dim3A_703], %gather3A_699 : memref<32x512xf32, #tpu.memory_space<vmem>>[vector<16xi32>, vector<16xi32>], vector<16xf32>,
      %slice3A_704 = vector.extract_strided_slice %get3A_146 {offsets = [9], sizes = [1], strides = [1]} : vector<16xi32> to vector<1xi32>
      %squeeze3A_705 = vector.extract %slice3A_704[0] : i32 from vector<1xi32>
      %and3A_706 = arith.constant 127 : i32
      %and3A_707 = arith.andi %squeeze3A_705, %and3A_706 : i32
      %broadcast_in_dim3A_708 = vector.broadcast %and3A_707 : i32 to vector<16xi32>
      %mul3A_709 = arith.constant 8 : i32
      %mul3A_710 = arith.muli %add3A_582, %mul3A_709 : i32
      %add3A_711 = arith.constant 1 : i32
      %add3A_712 = arith.addi %mul3A_710, %add3A_711 : i32
      %add3A_713 = arith.constant 32 : i32
      %add3A_714 = vector.broadcast %add3A_713 : i32 to vector<16xi32>
      %add3A_715 = arith.addi %add3A_714, %iota3A : vector<16xi32>
      %gather3A_716 = tpu.vector_load_idx %arg7[%add3A_715, %broadcast_in_dim3A_708] : memref<256x128xf32, #tpu.memory_space<vmem>>[vector<16xi32>, vector<16xi32>], vector<16xf32>,
      %add3A_717 = arith.constant 0 : i32
      %add3A_718 = vector.broadcast %add3A_717 : i32 to vector<16xi32>
      %add3A_719 = arith.addi %add3A_718, %iota3A : vector<16xi32>
      %broadcast_in_dim3A_720 = vector.broadcast %add3A_712 : i32 to vector<16xi32>
      tpu.vector_store_idx %arg8[%add3A_719, %broadcast_in_dim3A_720], %gather3A_716 : memref<32x512xf32, #tpu.memory_space<vmem>>[vector<16xi32>, vector<16xi32>], vector<16xf32>,
      %add3A_721 = arith.constant 48 : i32
      %add3A_722 = vector.broadcast %add3A_721 : i32 to vector<16xi32>
      %add3A_723 = arith.addi %add3A_722, %iota3A : vector<16xi32>
      %gather3A_724 = tpu.vector_load_idx %arg7[%add3A_723, %broadcast_in_dim3A_708] : memref<256x128xf32, #tpu.memory_space<vmem>>[vector<16xi32>, vector<16xi32>], vector<16xf32>,
      %add3A_725 = arith.constant 16 : i32
      %add3A_726 = vector.broadcast %add3A_725 : i32 to vector<16xi32>
      %add3A_727 = arith.addi %add3A_726, %iota3A : vector<16xi32>
      %broadcast_in_dim3A_728 = vector.broadcast %add3A_712 : i32 to vector<16xi32>
      tpu.vector_store_idx %arg8[%add3A_727, %broadcast_in_dim3A_728], %gather3A_724 : memref<32x512xf32, #tpu.memory_space<vmem>>[vector<16xi32>, vector<16xi32>], vector<16xf32>,
      %slice3A_729 = vector.extract_strided_slice %get3A_146 {offsets = [10], sizes = [1], strides = [1]} : vector<16xi32> to vector<1xi32>
      %squeeze3A_730 = vector.extract %slice3A_729[0] : i32 from vector<1xi32>
      %and3A_731 = arith.constant 127 : i32
      %and3A_732 = arith.andi %squeeze3A_730, %and3A_731 : i32
      %broadcast_in_dim3A_733 = vector.broadcast %and3A_732 : i32 to vector<16xi32>
      %mul3A_734 = arith.constant 8 : i32
      %mul3A_735 = arith.muli %add3A_582, %mul3A_734 : i32
      %add3A_736 = arith.constant 2 : i32
      %add3A_737 = arith.addi %mul3A_735, %add3A_736 : i32
      %add3A_738 = arith.constant 64 : i32
      %add3A_739 = vector.broadcast %add3A_738 : i32 to vector<16xi32>
      %add3A_740 = arith.addi %add3A_739, %iota3A : vector<16xi32>
      %gather3A_741 = tpu.vector_load_idx %arg7[%add3A_740, %broadcast_in_dim3A_733] : memref<256x128xf32, #tpu.memory_space<vmem>>[vector<16xi32>, vector<16xi32>], vector<16xf32>,
      %add3A_742 = arith.constant 0 : i32
      %add3A_743 = vector.broadcast %add3A_742 : i32 to vector<16xi32>
      %add3A_744 = arith.addi %add3A_743, %iota3A : vector<16xi32>
      %broadcast_in_dim3A_745 = vector.broadcast %add3A_737 : i32 to vector<16xi32>
      tpu.vector_store_idx %arg8[%add3A_744, %broadcast_in_dim3A_745], %gather3A_741 : memref<32x512xf32, #tpu.memory_space<vmem>>[vector<16xi32>, vector<16xi32>], vector<16xf32>,
      %add3A_746 = arith.constant 80 : i32
      %add3A_747 = vector.broadcast %add3A_746 : i32 to vector<16xi32>
      %add3A_748 = arith.addi %add3A_747, %iota3A : vector<16xi32>
      %gather3A_749 = tpu.vector_load_idx %arg7[%add3A_748, %broadcast_in_dim3A_733] : memref<256x128xf32, #tpu.memory_space<vmem>>[vector<16xi32>, vector<16xi32>], vector<16xf32>,
      %add3A_750 = arith.constant 16 : i32
      %add3A_751 = vector.broadcast %add3A_750 : i32 to vector<16xi32>
      %add3A_752 = arith.addi %add3A_751, %iota3A : vector<16xi32>
      %broadcast_in_dim3A_753 = vector.broadcast %add3A_737 : i32 to vector<16xi32>
      tpu.vector_store_idx %arg8[%add3A_752, %broadcast_in_dim3A_753], %gather3A_749 : memref<32x512xf32, #tpu.memory_space<vmem>>[vector<16xi32>, vector<16xi32>], vector<16xf32>,
      %slice3A_754 = vector.extract_strided_slice %get3A_146 {offsets = [11], sizes = [1], strides = [1]} : vector<16xi32> to vector<1xi32>
      %squeeze3A_755 = vector.extract %slice3A_754[0] : i32 from vector<1xi32>
      %and3A_756 = arith.constant 127 : i32
      %and3A_757 = arith.andi %squeeze3A_755, %and3A_756 : i32
      %broadcast_in_dim3A_758 = vector.broadcast %and3A_757 : i32 to vector<16xi32>
      %mul3A_759 = arith.constant 8 : i32
      %mul3A_760 = arith.muli %add3A_582, %mul3A_759 : i32
      %add3A_761 = arith.constant 3 : i32
      %add3A_762 = arith.addi %mul3A_760, %add3A_761 : i32
      %add3A_763 = arith.constant 96 : i32
      %add3A_764 = vector.broadcast %add3A_763 : i32 to vector<16xi32>
      %add3A_765 = arith.addi %add3A_764, %iota3A : vector<16xi32>
      %gather3A_766 = tpu.vector_load_idx %arg7[%add3A_765, %broadcast_in_dim3A_758] : memref<256x128xf32, #tpu.memory_space<vmem>>[vector<16xi32>, vector<16xi32>], vector<16xf32>,
      %add3A_767 = arith.constant 0 : i32
      %add3A_768 = vector.broadcast %add3A_767 : i32 to vector<16xi32>
      %add3A_769 = arith.addi %add3A_768, %iota3A : vector<16xi32>
      %broadcast_in_dim3A_770 = vector.broadcast %add3A_762 : i32 to vector<16xi32>
      tpu.vector_store_idx %arg8[%add3A_769, %broadcast_in_dim3A_770], %gather3A_766 : memref<32x512xf32, #tpu.memory_space<vmem>>[vector<16xi32>, vector<16xi32>], vector<16xf32>,
      %add3A_771 = arith.constant 112 : i32
      %add3A_772 = vector.broadcast %add3A_771 : i32 to vector<16xi32>
      %add3A_773 = arith.addi %add3A_772, %iota3A : vector<16xi32>
      %gather3A_774 = tpu.vector_load_idx %arg7[%add3A_773, %broadcast_in_dim3A_758] : memref<256x128xf32, #tpu.memory_space<vmem>>[vector<16xi32>, vector<16xi32>], vector<16xf32>,
      %add3A_775 = arith.constant 16 : i32
      %add3A_776 = vector.broadcast %add3A_775 : i32 to vector<16xi32>
      %add3A_777 = arith.addi %add3A_776, %iota3A : vector<16xi32>
      %broadcast_in_dim3A_778 = vector.broadcast %add3A_762 : i32 to vector<16xi32>
      tpu.vector_store_idx %arg8[%add3A_777, %broadcast_in_dim3A_778], %gather3A_774 : memref<32x512xf32, #tpu.memory_space<vmem>>[vector<16xi32>, vector<16xi32>], vector<16xf32>,
      %slice3A_779 = vector.extract_strided_slice %get3A_146 {offsets = [12], sizes = [1], strides = [1]} : vector<16xi32> to vector<1xi32>
      %squeeze3A_780 = vector.extract %slice3A_779[0] : i32 from vector<1xi32>
      %and3A_781 = arith.constant 127 : i32
      %and3A_782 = arith.andi %squeeze3A_780, %and3A_781 : i32
      %broadcast_in_dim3A_783 = vector.broadcast %and3A_782 : i32 to vector<16xi32>
      %mul3A_784 = arith.constant 8 : i32
      %mul3A_785 = arith.muli %add3A_582, %mul3A_784 : i32
      %add3A_786 = arith.constant 4 : i32
      %add3A_787 = arith.addi %mul3A_785, %add3A_786 : i32
      %add3A_788 = arith.constant 128 : i32
      %add3A_789 = vector.broadcast %add3A_788 : i32 to vector<16xi32>
      %add3A_790 = arith.addi %add3A_789, %iota3A : vector<16xi32>
      %gather3A_791 = tpu.vector_load_idx %arg7[%add3A_790, %broadcast_in_dim3A_783] : memref<256x128xf32, #tpu.memory_space<vmem>>[vector<16xi32>, vector<16xi32>], vector<16xf32>,
      %add3A_792 = arith.constant 0 : i32
      %add3A_793 = vector.broadcast %add3A_792 : i32 to vector<16xi32>
      %add3A_794 = arith.addi %add3A_793, %iota3A : vector<16xi32>
      %broadcast_in_dim3A_795 = vector.broadcast %add3A_787 : i32 to vector<16xi32>
      tpu.vector_store_idx %arg8[%add3A_794, %broadcast_in_dim3A_795], %gather3A_791 : memref<32x512xf32, #tpu.memory_space<vmem>>[vector<16xi32>, vector<16xi32>], vector<16xf32>,
      %add3A_796 = arith.constant 144 : i32
      %add3A_797 = vector.broadcast %add3A_796 : i32 to vector<16xi32>
      %add3A_798 = arith.addi %add3A_797, %iota3A : vector<16xi32>
      %gather3A_799 = tpu.vector_load_idx %arg7[%add3A_798, %broadcast_in_dim3A_783] : memref<256x128xf32, #tpu.memory_space<vmem>>[vector<16xi32>, vector<16xi32>], vector<16xf32>,
      %add3A_800 = arith.constant 16 : i32
      %add3A_801 = vector.broadcast %add3A_800 : i32 to vector<16xi32>
      %add3A_802 = arith.addi %add3A_801, %iota3A : vector<16xi32>
      %broadcast_in_dim3A_803 = vector.broadcast %add3A_787 : i32 to vector<16xi32>
      tpu.vector_store_idx %arg8[%add3A_802, %broadcast_in_dim3A_803], %gather3A_799 : memref<32x512xf32, #tpu.memory_space<vmem>>[vector<16xi32>, vector<16xi32>], vector<16xf32>,
      %slice3A_804 = vector.extract_strided_slice %get3A_146 {offsets = [13], sizes = [1], strides = [1]} : vector<16xi32> to vector<1xi32>
      %squeeze3A_805 = vector.extract %slice3A_804[0] : i32 from vector<1xi32>
      %and3A_806 = arith.constant 127 : i32
      %and3A_807 = arith.andi %squeeze3A_805, %and3A_806 : i32
      %broadcast_in_dim3A_808 = vector.broadcast %and3A_807 : i32 to vector<16xi32>
      %mul3A_809 = arith.constant 8 : i32
      %mul3A_810 = arith.muli %add3A_582, %mul3A_809 : i32
      %add3A_811 = arith.constant 5 : i32
      %add3A_812 = arith.addi %mul3A_810, %add3A_811 : i32
      %add3A_813 = arith.constant 160 : i32
      %add3A_814 = vector.broadcast %add3A_813 : i32 to vector<16xi32>
      %add3A_815 = arith.addi %add3A_814, %iota3A : vector<16xi32>
      %gather3A_816 = tpu.vector_load_idx %arg7[%add3A_815, %broadcast_in_dim3A_808] : memref<256x128xf32, #tpu.memory_space<vmem>>[vector<16xi32>, vector<16xi32>], vector<16xf32>,
      %add3A_817 = arith.constant 0 : i32
      %add3A_818 = vector.broadcast %add3A_817 : i32 to vector<16xi32>
      %add3A_819 = arith.addi %add3A_818, %iota3A : vector<16xi32>
      %broadcast_in_dim3A_820 = vector.broadcast %add3A_812 : i32 to vector<16xi32>
      tpu.vector_store_idx %arg8[%add3A_819, %broadcast_in_dim3A_820], %gather3A_816 : memref<32x512xf32, #tpu.memory_space<vmem>>[vector<16xi32>, vector<16xi32>], vector<16xf32>,
      %add3A_821 = arith.constant 176 : i32
      %add3A_822 = vector.broadcast %add3A_821 : i32 to vector<16xi32>
      %add3A_823 = arith.addi %add3A_822, %iota3A : vector<16xi32>
      %gather3A_824 = tpu.vector_load_idx %arg7[%add3A_823, %broadcast_in_dim3A_808] : memref<256x128xf32, #tpu.memory_space<vmem>>[vector<16xi32>, vector<16xi32>], vector<16xf32>,
      %add3A_825 = arith.constant 16 : i32
      %add3A_826 = vector.broadcast %add3A_825 : i32 to vector<16xi32>
      %add3A_827 = arith.addi %add3A_826, %iota3A : vector<16xi32>
      %broadcast_in_dim3A_828 = vector.broadcast %add3A_812 : i32 to vector<16xi32>
      tpu.vector_store_idx %arg8[%add3A_827, %broadcast_in_dim3A_828], %gather3A_824 : memref<32x512xf32, #tpu.memory_space<vmem>>[vector<16xi32>, vector<16xi32>], vector<16xf32>,
      %slice3A_829 = vector.extract_strided_slice %get3A_146 {offsets = [14], sizes = [1], strides = [1]} : vector<16xi32> to vector<1xi32>
      %squeeze3A_830 = vector.extract %slice3A_829[0] : i32 from vector<1xi32>
      %and3A_831 = arith.constant 127 : i32
      %and3A_832 = arith.andi %squeeze3A_830, %and3A_831 : i32
      %broadcast_in_dim3A_833 = vector.broadcast %and3A_832 : i32 to vector<16xi32>
      %mul3A_834 = arith.constant 8 : i32
      %mul3A_835 = arith.muli %add3A_582, %mul3A_834 : i32
      %add3A_836 = arith.constant 6 : i32
      %add3A_837 = arith.addi %mul3A_835, %add3A_836 : i32
      %add3A_838 = arith.constant 192 : i32
      %add3A_839 = vector.broadcast %add3A_838 : i32 to vector<16xi32>
      %add3A_840 = arith.addi %add3A_839, %iota3A : vector<16xi32>
      %gather3A_841 = tpu.vector_load_idx %arg7[%add3A_840, %broadcast_in_dim3A_833] : memref<256x128xf32, #tpu.memory_space<vmem>>[vector<16xi32>, vector<16xi32>], vector<16xf32>,
      %add3A_842 = arith.constant 0 : i32
      %add3A_843 = vector.broadcast %add3A_842 : i32 to vector<16xi32>
      %add3A_844 = arith.addi %add3A_843, %iota3A : vector<16xi32>
      %broadcast_in_dim3A_845 = vector.broadcast %add3A_837 : i32 to vector<16xi32>
      tpu.vector_store_idx %arg8[%add3A_844, %broadcast_in_dim3A_845], %gather3A_841 : memref<32x512xf32, #tpu.memory_space<vmem>>[vector<16xi32>, vector<16xi32>], vector<16xf32>,
      %add3A_846 = arith.constant 208 : i32
      %add3A_847 = vector.broadcast %add3A_846 : i32 to vector<16xi32>
      %add3A_848 = arith.addi %add3A_847, %iota3A : vector<16xi32>
      %gather3A_849 = tpu.vector_load_idx %arg7[%add3A_848, %broadcast_in_dim3A_833] : memref<256x128xf32, #tpu.memory_space<vmem>>[vector<16xi32>, vector<16xi32>], vector<16xf32>,
      %add3A_850 = arith.constant 16 : i32
      %add3A_851 = vector.broadcast %add3A_850 : i32 to vector<16xi32>
      %add3A_852 = arith.addi %add3A_851, %iota3A : vector<16xi32>
      %broadcast_in_dim3A_853 = vector.broadcast %add3A_837 : i32 to vector<16xi32>
      tpu.vector_store_idx %arg8[%add3A_852, %broadcast_in_dim3A_853], %gather3A_849 : memref<32x512xf32, #tpu.memory_space<vmem>>[vector<16xi32>, vector<16xi32>], vector<16xf32>,
      %slice3A_854 = vector.extract_strided_slice %get3A_146 {offsets = [15], sizes = [1], strides = [1]} : vector<16xi32> to vector<1xi32>
      %squeeze3A_855 = vector.extract %slice3A_854[0] : i32 from vector<1xi32>
      %and3A_856 = arith.constant 127 : i32
      %and3A_857 = arith.andi %squeeze3A_855, %and3A_856 : i32
      %broadcast_in_dim3A_858 = vector.broadcast %and3A_857 : i32 to vector<16xi32>
      %mul3A_859 = arith.constant 8 : i32
      %mul3A_860 = arith.muli %add3A_582, %mul3A_859 : i32
      %add3A_861 = arith.constant 7 : i32
      %add3A_862 = arith.addi %mul3A_860, %add3A_861 : i32
      %add3A_863 = arith.constant 224 : i32
      %add3A_864 = vector.broadcast %add3A_863 : i32 to vector<16xi32>
      %add3A_865 = arith.addi %add3A_864, %iota3A : vector<16xi32>
      %gather3A_866 = tpu.vector_load_idx %arg7[%add3A_865, %broadcast_in_dim3A_858] : memref<256x128xf32, #tpu.memory_space<vmem>>[vector<16xi32>, vector<16xi32>], vector<16xf32>,
      %add3A_867 = arith.constant 0 : i32
      %add3A_868 = vector.broadcast %add3A_867 : i32 to vector<16xi32>
      %add3A_869 = arith.addi %add3A_868, %iota3A : vector<16xi32>
      %broadcast_in_dim3A_870 = vector.broadcast %add3A_862 : i32 to vector<16xi32>
      tpu.vector_store_idx %arg8[%add3A_869, %broadcast_in_dim3A_870], %gather3A_866 : memref<32x512xf32, #tpu.memory_space<vmem>>[vector<16xi32>, vector<16xi32>], vector<16xf32>,
      %add3A_871 = arith.constant 240 : i32
      %add3A_872 = vector.broadcast %add3A_871 : i32 to vector<16xi32>
      %add3A_873 = arith.addi %add3A_872, %iota3A : vector<16xi32>
      %gather3A_874 = tpu.vector_load_idx %arg7[%add3A_873, %broadcast_in_dim3A_858] : memref<256x128xf32, #tpu.memory_space<vmem>>[vector<16xi32>, vector<16xi32>], vector<16xf32>,
      %add3A_875 = arith.constant 16 : i32
      %add3A_876 = vector.broadcast %add3A_875 : i32 to vector<16xi32>
      %add3A_877 = arith.addi %add3A_876, %iota3A : vector<16xi32>
      %broadcast_in_dim3A_878 = vector.broadcast %add3A_862 : i32 to vector<16xi32>
      tpu.vector_store_idx %arg8[%add3A_877, %broadcast_in_dim3A_878], %gather3A_874 : memref<32x512xf32, #tpu.memory_space<vmem>>[vector<16xi32>, vector<16xi32>], vector<16xf32>,
    }
    %scan3A_138 = arith.constant 32 : i32
    %multiple_of3A_139 = tpu.assume_multiple %mul3A_2, 128 : i32
    "tpu.region"() ({
      %run_scoped3A = tpu.sem_alloc : memref<!tpu.dma_semaphore, #tpu.memory_space<semaphore_mem>>
      %dma_start3A_140 = arith.constant 0 : i32
      %dma_start3A_141 = tpu.memref_slice %arg4[%dma_start3A_140, %multiple_of3A_139] : memref<32x16384xf32, #tpu.memory_space<hbm>> -> memref<32x512xf32, #tpu.memory_space<hbm>>
      %dma_start3A_142 = arith.constant 0 : i32
      %dma_start3A_143 = tpu.memref_slice %arg4[%dma_start3A_142, %multiple_of3A_139] : memref<32x16384xf32, #tpu.memory_space<hbm>> -> memref<32x512xf32, #tpu.memory_space<hbm>>
      tpu.enqueue_dma source(%arg8 : memref<32x512xf32, #tpu.memory_space<vmem>>) target(%dma_start3A_143 : memref<32x512xf32, #tpu.memory_space<hbm>>) target_semaphore(%run_scoped3A : memref<!tpu.dma_semaphore, #tpu.memory_space<semaphore_mem>>)
      %dma_wait3A = arith.constant 0 : i32
      %dma_wait3A_144 = tpu.memref_slice %arg4[%dma_wait3A, %multiple_of3A_139] : memref<32x16384xf32, #tpu.memory_space<hbm>> -> memref<32x512xf32, #tpu.memory_space<hbm>>
      %dma_wait3A_145 = arith.constant 0 : i32
      %dma_wait3A_146 = tpu.memref_slice %arg4[%dma_wait3A_145, %multiple_of3A_139] : memref<32x16384xf32, #tpu.memory_space<hbm>> -> memref<32x512xf32, #tpu.memory_space<hbm>>
      tpu.wait_dma2 semaphore(%run_scoped3A : memref<!tpu.dma_semaphore, #tpu.memory_space<semaphore_mem>>) src(%arg8 : memref<32x512xf32, #tpu.memory_space<vmem>>) dst(%dma_wait3A_146 : memref<32x512xf32, #tpu.memory_space<hbm>>)
      tpu.yield
    }) : () -> ()
    return
  }
}

</mosaic_0001>

<sc_bundles>
// kernel: kernel.3.cloned.1.call-start
scs
__scs_entry_jumppad:
0x0: {  	(pc) =	sbr.rel $0x88, $3  }
0x1: {  	(tag) =	ssettag $0x0;
	lr =	simm.s32 $0x1  }
0x2: {  	[smem:$0x3F9F] =	sst lr;
	_ =	strace $0xD0000000  }
0x3: {  	_ = 	snop  }
0x4: {  	_ = 	snop  }
0x5: {  	_ = 	snop  }
0x6: {  	_ = 	snop  }
0x7: {  	_ = 	snop  }
__scs_overlays_trampoline_lowered:
0x8: {  	[smem:$0x3FAE] =	sst s0  }
0x9: {  	[smem:$0x3FAF] =	sst s1  }
0xa: {  	[smem:$0x3FB0] =	sst s2  }
0xb: {  	[smem:$0x3FB1] =	sst s3  }
0xc: {  	[smem:$0x3FB2] =	sst s4  }
0xd: {  	[smem:$0x3FB3] =	sst s5  }
0xe: {  	[smem:$0x3FB4] =	sst s6  }
0xf: {  	[smem:$0x3FB5] =	sst s7  }
0x10: {  	[smem:$0x3FB6] =	sst s8  }
0x11: {  	[smem:$0x3FB7] =	sst s9;
	s0 =	simm.s32 @!p0 $0x0  }
0x12: {  	s1 =	sld [smem:$0x3F9D];
	s0 =	simm.s32 @p0 $0x1  }
0x13: {  	[smem:$0x3FB8] =	sst s0;
	s0 =	simm.s32 @!p1 $0x0  }
0x14: {  	s2 =	sld [smem:$0x3F9C];
	s0 =	simm.s32 @p1 $0x1  }
0x15: {  	[smem:$0x3FB9] =	sst s0;
	s0 =	simm.s32 @!p2 $0x0  }
0x16: {  	s3 =	sld [smem:$0x3FDB];
	s0 =	simm.s32 @p2 $0x1  }
0x17: {  	s4 =	simm.s32 $0x1BF5;
	[smem:$0x3FBB] =	sst s0  }
0x18: {  	s0 =	sld [smem:$0x3F9E];
	_ =	swait.ge [sflag:s4], $0x0  }
0x19: {  	s7 =	sld [smem:$0x3F9F]  }
0x1a: {  	s8 =	sadd.s32 $0xFFFFE003, lr  }
0x1b: {  	s9 =	sadd.s32 $0xFFFFFEF7, lr;
	s5 =	simm.s32 $0xFFFFFFFF;
	p2 =	slt.u32 s8, $0xFFFFF086  }
0x1c: {  	p1 =	slt.u32 s9, $0xF7A;
	s5 =	simm.s32 @!p2 $0x0  }
0x1d: {  	s5 =	simm.s32 @p1 $0x1;
	p0 =	seq.s32 s7, s2  }
0x1e: {  	s7 =	smul.u32 @!p0 $0xF7A, s2;
	p2 =	seq.s32 @!p0 s5, $0x0  }
0x1f: {  	s9 =	smul.u32 $0xF7A, s1;
	s8 =	simm.s32 @!p0 $0x1BF5;
	p2 =	por !p2, p0  }
0x20: {  	[sflag:s8] =	ssyncset.s32 @!p0 $0xFFFFF086;
	s6 =	sadd.s32 @!p0 s3, s7;
	s7 =	simm.s32 @!p0 $0x108  }
0x21: {  	s3 =	sadd.s32 s3, s9;
	s6 =	sadd.s32 @!p0 $0x88, s6;
	s7 =	simm.s32 @p2 $0x1082  }
0x22: {  	[simem:s7], [sflag:s8] =	dma.local @!p0 [hbm:s6], $0xF7A  }
0x23: {  	s9 =	sor.u32 $0xD0000000, s2;
	s6 =	simm.s32 $0x108;
	_ =	swait.ge @!p0 [sflag:s8], $0x0  }
0x24: {  	s3 =	sadd.s32 $0x88, s3;
	s6 =	simm.s32 @!p1 $0x1082;
	[sflag:s4] =	ssyncset.s32 $0xFFFFF086  }
0x25: {  	[simem:s6], [sflag:s4] =	dma.local [hbm:s3], $0xF7A  }
0x26: {  	[smem:$0x3F9F] =	sst s1;
	(tag) =	ssettag s2;
	_ =	strace s9  }
0x27: {  	s1 =	sld [smem:$0x3FAF]  }
0x28: {  	s2 =	sld [smem:$0x3FB0]  }
0x29: {  	s4 =	sld [smem:$0x3FB2]  }
0x2a: {  	p0 =	seq.s32 s5, $0x0;
	s5 =	sld [smem:$0x3FB3]  }
0x2b: {  	s6 =	sld [smem:$0x3FB4]  }
0x2c: {  	s7 =	sld [smem:$0x3FB5]  }
0x2d: {  	s3 =	simm.s32 $0x108;
	s8 =	sld [smem:$0x3FB6]  }
0x2e: {  	s3 =	simm.s32 @!p0 $0x1082;
	s9 =	sld [smem:$0x3FB7]  }
0x2f: {  	lr =	sadd.s32 s0, s3;
	s0 =	sld [smem:$0x3FAE]  }
0x30: {  	s3 =	sld [smem:$0x3FB1]  }
0x31: {  	[smem:$0x3FBA] =	sst s10  }
0x32: {  	s10 =	sld [smem:$0x3FB8];
	_ =	sdelay $0x3  }
0x33: {  	p0 =	seq.s32 s10, $0x1;
	s10 =	sld [smem:$0x3FBA];
	_ =	sdelay $0x3  }
0x34: {  	[smem:$0x3FBA] =	sst s10  }
0x35: {  	s10 =	sld [smem:$0x3FB9];
	_ =	sdelay $0x3  }
0x36: {  	p1 =	seq.s32 s10, $0x1;
	s10 =	sld [smem:$0x3FBA];
	_ =	sdelay $0x3  }
0x37: {  	[smem:$0x3FBA] =	sst s10  }
0x38: {  	s10 =	sld [smem:$0x3FBB]  }
0x39: {  	_ = 	snop;
	(pc) =	sbr.ind lr, $3  }
0x3a: {  	_ = 	snop  }
0x3b: {  	_ = 	snop  }
0x3c: {  	p2 =	seq.s32 s10, $0x1;
	s10 =	sld [smem:$0x3FBA]  }
0x3d: {  	_ =	shalt  }
0x3e: {  	_ =	shalt  }
0x3f: {  	_ =	shalt  }
0x40: {  	_ =	shalt  }
0x41: {  	_ =	shalt  }
0x42: {  	_ =	shalt  }
0x43: {  	_ =	shalt  }
0x44: {  	_ =	shalt  }
0x45: {  	_ =	shalt  }
0x46: {  	_ =	shalt  }
0x47: {  	_ =	shalt  }
0x48: {  	_ =	shalt  }
0x49: {  	_ =	shalt  }
0x4a: {  	_ =	shalt  }
0x4b: {  	_ =	shalt  }
0x4c: {  	_ =	shalt  }
0x4d: {  	_ =	shalt  }
0x4e: {  	_ =	shalt  }
0x4f: {  	_ =	shalt  }
0x50: {  	_ =	shalt  }
0x51: {  	_ =	shalt  }
0x52: {  	_ =	shalt  }
0x53: {  	_ =	shalt  }
0x54: {  	_ =	shalt  }
0x55: {  	_ =	shalt  }
0x56: {  	_ =	shalt  }
0x57: {  	_ =	shalt  }
0x58: {  	_ =	shalt  }
0x59: {  	_ =	shalt  }
0x5a: {  	_ =	shalt  }
0x5b: {  	_ =	shalt  }
0x5c: {  	_ =	shalt  }
0x5d: {  	_ =	shalt  }
0x5e: {  	_ =	shalt  }
0x5f: {  	_ =	shalt  }
0x60: {  	_ =	shalt  }
0x61: {  	_ =	shalt  }
0x62: {  	_ =	shalt  }
0x63: {  	_ =	shalt  }
0x64: {  	_ =	shalt  }
0x65: {  	_ =	shalt  }
0x66: {  	_ =	shalt  }
0x67: {  	_ =	shalt  }
0x68: {  	_ =	shalt  }
0x69: {  	_ =	shalt  }
0x6a: {  	_ =	shalt  }
0x6b: {  	_ =	shalt  }
0x6c: {  	_ =	shalt  }
0x6d: {  	_ =	shalt  }
0x6e: {  	_ =	shalt  }
0x6f: {  	_ =	shalt  }
0x70: {  	_ =	shalt  }
0x71: {  	_ =	shalt  }
0x72: {  	_ =	shalt  }
0x73: {  	_ =	shalt  }
0x74: {  	_ =	shalt  }
0x75: {  	_ =	shalt  }
0x76: {  	_ =	shalt  }
0x77: {  	_ =	shalt  }
0x78: {  	_ =	shalt  }
0x79: {  	_ =	shalt  }
0x7a: {  	_ =	shalt  }
0x7b: {  	_ =	shalt  }
0x7c: {  	_ =	shalt  }
0x7d: {  	_ =	shalt  }
0x7e: {  	_ =	shalt  }
0x7f: {  	_ =	shalt  }
0x80: {  	_ =	shalt  }
0x81: {  	_ =	shalt  }
0x82: {  	_ =	shalt  }
0x83: {  	_ =	shalt  }
0x84: {  	_ =	shalt  }
0x85: {  	_ =	shalt  }
0x86: {  	_ =	shalt  }
0x87: {  	_ =	shalt  }
.Lfunc_end0:
.L_simem_size_0:
called_computation_lowered:
.L_overlay_start_0:
0x88: {  	s2 =	sld [smem:$0x3FD9]  }
0x89: {  	s3 =	sld [smem:$0x3FFE];
	_ =	sdelay $0x1  }
0x8a: {  	s1 =	srdreg.scid  }
0x8b: {  	s0 =	sand.u32 $0x1, s1  }
0x8c: {  	s18 =	sshll.u32 s0, $0xA;
	s2 =	sadd.s32 s3, s2  }
0x8d: {  	s2 =	sadd.s32 s2, s18  }
0x8e: {  	[smem:$0x3FC6] =	sst s2  }
0x8f: {  	_ = 	snop  }
0x90: {  	s2 =	sld [smem:$0x3FC9]  }
0x91: {  	s19 =	sld [smem:$0x3FC8]  }
0x92: {  	s4 =	sld [smem:$0x3FD0];
	(tm) =	ssettm $0x1  }
0x93: {  	s5 =	sld [smem:$0x3FFB];
	_ =	sdelay $0x3  }
0x94: {  	_ =	strace s5  }
0x95: {  	s5 =	sld [smem:$0x3FFC];
	_ =	sdelay $0x3  }
0x96: {  	_ =	strace s5  }
0x97: {  	s5 =	sld [smem:$0x3FFD];
	_ =	sdelay $0x3  }
0x98: {  	_ =	strace s5  }
0x99: {  	_ =	strace $0x8FFFFFFF  }
0x9a: {  	s20 =	sld [smem:$0x3FDB];
	_ =	sdelay $0x1  }
0x9b: {  	s6 =	simm.s32 $_scs_section_size  }
0x9c: {  	s7 =	simm.s32 $_size__tile_overlayer_lowered;
	s8 =	simm.s32 $_tile_overlayer_lowered  }
0x9d: {  	s23 =	simm.s32 $0x1BFF;
	s22 =	sshll.u32 s8, $0x1;
	s5 =	sadd.s32 s6, s20  }
0x9e: {  	s9 =	simm.s32 $0x0;
	s21 =	sshll.u32 s7, $0x1;
	s7 =	sadd.s32 s22, s5  }
0x9f: {  	[timem:s9], [sflag:s23] =	dma.local [hbm:s7], s21  }
0xa0: {  	_ =	swait.ge [sflag:s23], s21  }
0xa1: {  	s6 =	ssub.s32 $0x0, s21;
	[sflag:s23] =	ssyncset.done $0x0  }
0xa2: {  	[sflag:s23] =	ssyncadd.s32 s6;
	_ =	sdelay $0x1  }
0xa3: {  	s24 =	simm.s32 $0x1B8B  }
0xa4: {  	_ =	swait.ge [sflag:s24], $0x1  }
0xa5: {  	[sflag:s24] =	ssyncset.done $0x0  }
0xa6: {  	s25 =	simm.s32 $0x1B8E;
	[sflag:s24] =	ssyncadd.s32 $0xFFFFFFFF  }
0xa7: {  	s26 =	simm.s32 $execute0_lowered;
	[smem:$0x3FD2] =	sst s25  }
0xa8: {  	s6 =	sshll.u32 s26, $0x1;
	_ =	strace $0x80000046;
	[dreg:$0x1] =	wrdreg $0xFFFFFFFF  }
0xa9: {  	s28 =	simm.s32 $_size_execute0_lowered;
	s5 =	sadd.s32 s5, s6;
	[dreg:$0x0] =	wrdreg $0x0  }
0xaa: {  	s6 =	sshll.u32 s28, $0x1;
	[dreg:$0x2] =	wrdreg s5  }
0xab: {  	[dreg:$0x3] =	wrdreg s6  }
0xac: {  	[dreg:$0x4] =	wrdreg $0xC0  }
0xad: {  	_ =	task [dreg:s9], $0x5FFFF  }
0xae: {  	[dreg:$0x1] =	wrdreg $0xFFFFFFFF  }
0xaf: {  	[dreg:$0x0] =	wrdreg $0x60  }
0xb0: {  	[dreg:$0x2] =	wrdreg s19  }
0xb1: {  	[dreg:$0x3] =	wrdreg s2  }
0xb2: {  	[dreg:$0x4] =	wrdreg s4  }
0xb3: {  	[dreg:$0x5] =	wrdreg $0x9  }
0xb4: {  	_ =	task.clear_ibuf [dreg:s9], $0x6FFFF;
	_ =	strace $0x90000046  }
0xb5: {  	s29 =	simm.s32 $0x9;
	_ =	strace $0x80000048  }
0xb6: {  	_ =	swait.ge [sflag:s29], $0x1  }
0xb7: {  	[sflag:s29] =	ssyncadd.s32 $0xFFFFFFFF  }
0xb8: {  	_ =	strace $0x90000048  }
0xb9: {  	_ =	sfence  }
0xba: {  	s30 =	sld [smem:$0x0];
	_ =	sdelay $0x2  }
0xbb: {  	s31 =	sshll.u32 s1, $0xD;
	s1 =	sshrl.u32 s1, $0x2  }
0xbc: {  	s3 =	sand.u32 $0x4000, s31;
	s1 =	sadd.s32 s1, s30  }
0xbd: {  	s0 =	sor.u32 s3, s0;
	s1 =	sshll.u32 s1, $0x11  }
0xbe: {  	s0 =	sor.u32 s1, s0  }
0xbf: {  	s0 =	sadd.s32 $0x8F2B, s0  }
0xc0: {  	[sflag:s0] =	ssyncadd.remote.s32 $0x1  }
0xc1: {  	_ =	sfence.sel $0xFFFF  }
0xc2: {  	[dreg:$0x0] =	wrdreg $0xFFFFFFFF;
	(pc) =	sbr.abs _section_cstart, $3  }
0xc3: {  	[dreg:$0x1] =	wrdreg $0xFFFFFFFF  }
0xc4: {  	_ =	task.clear_ibuf [dreg:s9], $0x2FFFF;
	_ =	strace $0x9FFFFFFF  }
0xc5: {  	(tm) =	ssettm $0x7FFFFFFF  }
tec
execute0_lowered:
.L_overlay_start_1:
0x0: {  	(tag) =	ssettag $0x1  }
0x1: {  	v0 =	vlaneseq.u32  }
0x2: {  	v1 =	vimm.s32 $0x1380;
	vm0 =	vcmask $0x300;
	vm1 =	vcmask $0x704  }
0x3: {  	v2 =	vimm.s32 $0x3380;
	vm2 =	vcmask $0xB08;
	vm4 =	vcmask $0xF0C  }
0x4: {  	vm5 =	vcmask $0x1310;
	vm6 =	vcmask $0x1714;
	vm7 =	vcmask $0x1B18  }
0x5: {  	vm8 =	vcmask $0x1F1C;
	vm9 =	vcmask $0x2320;
	vm10 =	vcmask $0x2724  }
0x6: {  	s0 =	rddreg [dreg:$0x0];
	vm11 =	vcmask $0x2B28;
	vm12 =	vcmask $0x2F2C;
	vm13 =	vcmask $0x3330  }
0x7: {  	s1 =	rddreg [dreg:$0x1];
	vm14 =	vcmask $0x3734;
	v1 =	vsel vm0, $0x0, v1;
	v2 =	vsel vm0, $0x2000, v2  }
0x8: {  	s2 =	rddreg [dreg:$0x2];
	s3 =	srdreg.scid;
	v0 =	vmul.u32 $0x80, v0;
	v1 =	vsel vm1, $0x80, v1;
	v2 =	vsel vm1, $0x2080, v2  }
0x9: {  	s4 =	stileid.u32;
	s6 =	simm.s32 $0x0;
	s8 =	simm.s32 $0x7A1400;
	vm15 =	vcmask $0x3B38;
	v1 =	vsel vm2, $0x100, v1;
	v2 =	vsel vm2, $0x2100, v2  }
0xa: {  	s7 =	simm.s32 $0x3;
	s9 =	simm.s32 $0x400;
	s10 =	simm.s32 $0x200;
	v4 =	vor.u32 $0x1000, v0;
	v5 =	vor.u32 $0x1800, v0;
	v6 =	vor.u32 $0x2000, v0  }
0xb: {  	s24 =	simm.s32 $0x9200;
	s25 =	simm.s32 $0xA200;
	s26 =	simm.s32 $0xB200;
	v7 =	vor.u32 $0x2800, v0;
	v1 =	vsel vm4, $0x180, v1;
	v2 =	vsel vm4, $0x2180, v2  }
0xc: {  	s28 =	simm.s32 $0xC200;
	s29 =	simm.s32 $0xD200;
	[smem:$0x7FF] =	sst s6;
	v8 =	vor.u32 $0x3000, v0;
	v1 =	vsel vm5, $0x200, v1;
	v2 =	vsel vm5, $0x2200, v2  }
0xd: {  	s30 =	simm.s32 $0xE200;
	_ =	strace $0x80000047;
	[dreg:$0x4] =	wrdreg s24;
	v9 =	vor.u32 $0x3800, v0;
	v1 =	vsel vm6, $0x280, v1;
	v2 =	vsel vm6, $0x2280, v2  }
0xe: {  	s16 =	simm.s32 $0x6200;
	s31 =	simm.s32 $0xF200;
	[dreg:$0x5] =	wrdreg s25;
	v10 =	vor.u32 $0x4000, v0;
	v1 =	vsel vm7, $0x300, v1;
	v2 =	vsel vm7, $0x2300, v2  }
0xf: {  	s17 =	simm.s32 $0x7200;
	s18 =	simm.s32 $0x8200;
	[dreg:$0x6] =	wrdreg s26;
	v11 =	vor.u32 $0x4800, v0;
	v1 =	vsel vm8, $0x380, v1;
	v2 =	vsel vm8, $0x2380, v2  }
0x10: {  	s19 =	simm.s32 $0x1;
	s20 =	simm.s32 $0x10200;
	[dreg:$0x7] =	wrdreg s28;
	v12 =	vor.u32 $0x5000, v0;
	v1 =	vsel vm9, $0x1000, v1;
	v2 =	vsel vm9, $0x3000, v2  }
0x11: {  	s21 =	simm.s32 $0x2;
	s3 =	sand.u32 $0x1, s3;
	[dreg:$0x8] =	wrdreg s29;
	v13 =	vor.u32 $0x5800, v0;
	v1 =	vsel vm10, $0x1080, v1;
	v2 =	vsel vm10, $0x3080, v2  }
0x12: {  	s4 =	sshll.u32 s4, $0xA;
	s5 =	sshll.u32 s3, $0x9;
	[dreg:$0x9] =	wrdreg s30;
	v14 =	vor.u32 $0x6000, v0;
	v1 =	vsel vm11, $0x1100, v1;
	v2 =	vsel vm11, $0x3100, v2  }
0x13: {  	s3 =	ssub.s32 $0x2, s3;
	[dreg:$0xa] =	wrdreg s31;
	s5 =	sor.u32 s5, s4;
	v15 =	vor.u32 $0x6800, v0;
	v1 =	vsel vm12, $0x1180, v1;
	v2 =	vsel vm12, $0x3180, v2  }
0x14: {  	s24 =	simm.s32 $0x0;
	s22 =	sshrl.u32 s3, $0x1;
	v16 =	vor.u32 $0x7000, v0;
	s23 =	sshrl.u32 s5, $0x3;
	v1 =	vsel vm13, $0x1200, v1;
	v3 =	vsel vm13, $0x3200, v2  }
0x15: {  	v17 =	vor.u32 $0x7800, v0;
	s3 =	ssub.s32 s3, s22;
	s5 =	sadd.s32 s2, s5;
	s22 =	simm.s32 $0x1000;
	v1 =	vsel vm14, $0x1280, v1;
	v3 =	vsel vm14, $0x3280, v3  }
0x16: {  	s4 =	sadd.s32 s1, s23;
	s6 =	smax.u32 s3, $0x1;
	s23 =	simm.s32 $0x20000;
	v2 =	vor.u32 $0x800, v0;
	v1 =	vsel vm15, $0x1300, v1;
	v3 =	vsel vm15, $0x3300, v3  }
.LBB2_1:
0x17: {  	s1 =	simm.s32 $0x0  }
0x18: {  	[tilespmem:s1], [sflag:$0x3] =	stream.linear.gather [hbm4b:s4+s1], $0x200, $0x38;
	[tilespmem:$0x14200] =	vst v63  }
0x19: {  	_ =	swait.ge [sflag:s7], $0x200  }
0x1a: {  	[sflag:s7] =	ssyncset.done $0x0  }
0x1b: {  	[sflag:s7] =	ssyncadd.s32 $0xFFFFFE00  }
0x1c: {  	v18 =	vld [tilespmem:$0x0];
	_ =	sdelay $0x4  }
0x1d: {  	(v2sf) =	vpush v18, $0x0  }
0x1e: {  	(v2sf) =	vpush v18, $0x1;
	_ =	sdelay $0x1  }
0x1f: {  	(v2sf) =	vpush v18, $0x2;
	_ =	sdelay $0x4  }
0x20: {  	(v2sf) =	vpush v18, $0x3  }
0x21: {  	(v2sf) =	vpush v18, $0x4;
	_ =	sdelay $0x5  }
0x22: {  	s28 =	spop (v2sf);
	(v2sf) =	vpush v18, $0x5  }
0x23: {  	s29 =	spop (v2sf);
	(v2sf) =	vpush v18, $0x6  }
0x24: {  	s1 =	sand.u32 $0xFFFFF80, s28  }
0x25: {  	s1 =	sadd.s32 s0, s1;
	s30 =	spop (v2sf)  }
0x26: {  	(v2sf) =	vpush v18, $0x7;
	[tilespmem:s10], [sflag:$0x1] =	stream.strided.gather [hbm4b:s1+s9], $0x1000, s8, s9, $0x38;
	[tilespmem:$0x14200] =	vst v63  }
0x27: {  	s1 =	sand.u32 $0xFFFFF80, s29  }
0x28: {  	s2 =	simm.s32 $0x1200;
	s1 =	sadd.s32 s0, s1  }
0x29: {  	[tilespmem:s2], [sflag:$0x1] =	stream.strided.gather [hbm4b:s1+s9], $0x1000, s8, s9, $0x38;
	[tilespmem:$0x14200] =	vst v63  }
0x2a: {  	s3 =	simm.s32 $0x2200;
	s31 =	spop (v2sf);
	s1 =	sand.u32 $0xFFFFF80, s30  }
0x2b: {  	s11 =	sand.u32 $0xFFFFF80, s31;
	s12 =	spop (v2sf);
	s1 =	sadd.s32 s0, s1  }
0x2c: {  	[tilespmem:s3], [sflag:$0x1] =	stream.strided.gather [hbm4b:s1+s9], $0x1000, s8, s9, $0x38;
	[tilespmem:$0x14200] =	vst v63  }
0x2d: {  	s13 =	simm.s32 $0x3200;
	s14 =	sand.u32 $0xFFFFF80, s12;
	s1 =	sadd.s32 s0, s11  }
0x2e: {  	[tilespmem:s13], [sflag:$0x1] =	stream.strided.gather [hbm4b:s1+s9], $0x1000, s8, s9, $0x38;
	[tilespmem:$0x14200] =	vst v63  }
0x2f: {  	s25 =	simm.s32 $0x4200;
	s1 =	sadd.s32 s0, s14  }
0x30: {  	[tilespmem:s25], [sflag:$0x1] =	stream.strided.gather [hbm4b:s1+s9], $0x1000, s8, s9, $0x38;
	[tilespmem:$0x14200] =	vst v63  }
0x31: {  	s15 =	spop (v2sf)  }
0x32: {  	s26 =	sand.u32 $0xFFFFF80, s15;
	s28 =	spop (v2sf)  }
0x33: {  	s29 =	simm.s32 $0x5200;
	s1 =	sadd.s32 s0, s26;
	s30 =	sand.u32 $0xFFFFF80, s28  }
0x34: {  	[tilespmem:s29], [sflag:$0x1] =	stream.strided.gather [hbm4b:s1+s9], $0x1000, s8, s9, $0x38;
	[tilespmem:$0x14200] =	vst v63  }
0x35: {  	s31 =	spop (v2sf);
	s1 =	sadd.s32 s0, s30  }
0x36: {  	[tilespmem:s16], [sflag:$0x1] =	stream.strided.gather [hbm4b:s1+s9], $0x1000, s8, s9, $0x38;
	[tilespmem:$0x14200] =	vst v63  }
0x37: {  	s1 =	sand.u32 $0xFFFFF80, s31  }
0x38: {  	s25 =	simm.s32 $0xF;
	s26 =	simm.s32 $0x10;
	s1 =	sadd.s32 s0, s1  }
0x39: {  	[tilespmem:s17], [sflag:$0x1] =	stream.strided.gather [hbm4b:s1+s9], $0x1000, s8, s9, $0x38;
	[tilespmem:$0x14200] =	vst v63  }
.LBB2_2:
0x3a: {  	v18 =	vld [tilespmem:s26+$0xFFFFFFF0];
	_ =	sdelay $0x4  }
0x3b: {  	(v2sf) =	vpush v18, $0x8;
	_ =	sdelay $0x1  }
0x3c: {  	(v2sf) =	vpush v18, $0x9;
	_ =	sdelay $0x4  }
0x3d: {  	(v2sf) =	vpush v18, $0xA  }
0x3e: {  	(v2sf) =	vpush v18, $0xB;
	_ =	sdelay $0x6  }
0x3f: {  	s11 =	spop (v2sf);
	(v2sf) =	vpush v18, $0xC;
	_ =	sdelay $0x1  }
0x40: {  	s1 =	sand.u32 $0xFFFFF80, s11;
	s3 =	spop (v2sf);
	(v2sf) =	vpush v18, $0xD  }
0x41: {  	s1 =	sadd.s32 s0, s1;
	s2 =	sand.u32 $0xFFFFF80, s3  }
0x42: {  	[tilespmem:s18], [sflag:$0x2] =	stream.strided.gather [hbm4b:s1+s9], $0x1000, s8, s9, $0x38;
	[tilespmem:$0x14200] =	vst v63  }
0x43: {  	s12 =	rddreg [dreg:$0x4];
	s2 =	sadd.s32 s0, s2  }
0x44: {  	[tilespmem:s12], [sflag:$0x2] =	stream.strided.gather [hbm4b:s2+s9], $0x1000, s8, s9, $0x38;
	[tilespmem:$0x14200] =	vst v63  }
0x45: {  	s2 =	spop (v2sf);
	(v2sf) =	vpush v18, $0xE  }
0x46: {  	s1 =	spop (v2sf);
	(v2sf) =	vpush v18, $0xF;
	_ =	sdelay $0x1  }
0x47: {  	s28 =	sand.u32 $0xFFFFF80, s2  }
0x48: {  	s13 =	rddreg [dreg:$0x5];
	s28 =	sadd.s32 s0, s28;
	s29 =	sand.u32 $0xFFFFF80, s1  }
0x49: {  	[tilespmem:s13], [sflag:$0x2] =	stream.strided.gather [hbm4b:s28+s9], $0x1000, s8, s9, $0x38;
	[tilespmem:$0x14200] =	vst v63  }
0x4a: {  	s14 =	rddreg [dreg:$0x6];
	s29 =	sadd.s32 s0, s29  }
0x4b: {  	[tilespmem:s14], [sflag:$0x2] =	stream.strided.gather [hbm4b:s29+s9], $0x1000, s8, s9, $0x38;
	[tilespmem:$0x14200] =	vst v63  }
0x4c: {  	s31 =	spop (v2sf)  }
0x4d: {  	s30 =	sand.u32 $0xFFFFF80, s31  }
0x4e: {  	s15 =	rddreg [dreg:$0x7];
	s29 =	sadd.s32 s0, s30;
	s30 =	spop (v2sf)  }
0x4f: {  	[tilespmem:s15], [sflag:$0x2] =	stream.strided.gather [hbm4b:s29+s9], $0x1000, s8, s9, $0x38;
	[tilespmem:$0x14200] =	vst v63  }
0x50: {  	s13 =	sand.u32 $0xFFFFF80, s30  }
0x51: {  	s12 =	rddreg [dreg:$0x8];
	s29 =	sadd.s32 s0, s13  }
0x52: {  	[tilespmem:s12], [sflag:$0x2] =	stream.strided.gather [hbm4b:s29+s9], $0x1000, s8, s9, $0x38;
	[tilespmem:$0x14200] =	vst v63  }
0x53: {  	s29 =	spop (v2sf)  }
0x54: {  	s12 =	sand.u32 $0xFFFFF80, s29;
	s28 =	spop (v2sf)  }
0x55: {  	s14 =	rddreg [dreg:$0x9];
	s12 =	sadd.s32 s0, s12;
	s13 =	sand.u32 $0xFFFFF80, s28  }
0x56: {  	[tilespmem:s14], [sflag:$0x2] =	stream.strided.gather [hbm4b:s12+s9], $0x1000, s8, s9, $0x38;
	[tilespmem:$0x14200] =	vst v63  }
0x57: {  	s15 =	rddreg [dreg:$0xa];
	s13 =	sadd.s32 s0, s13  }
0x58: {  	[tilespmem:s15], [sflag:$0x2] =	stream.strided.gather [hbm4b:s13+s9], $0x1000, s8, s9, $0x38;
	[tilespmem:$0x14200] =	vst v63  }
0x59: {  	_ =	swait.ge [sflag:s19], $0x1000  }
0x5a: {  	[sflag:s19] =	ssyncset.done $0x0  }
0x5b: {  	[sflag:s19] =	ssyncadd.s32 $0xFFFFF000  }
0x5c: {  	_ =	swait.ge [sflag:s19], $0x1000  }
0x5d: {  	[sflag:s19] =	ssyncset.done $0x0  }
0x5e: {  	[sflag:s19] =	ssyncadd.s32 $0xFFFFF000  }
0x5f: {  	_ =	swait.ge [sflag:s19], $0x1000  }
0x60: {  	[sflag:s19] =	ssyncset.done $0x0  }
0x61: {  	[sflag:s19] =	ssyncadd.s32 $0xFFFFF000  }
0x62: {  	_ =	swait.ge [sflag:s19], $0x1000  }
0x63: {  	[sflag:s19] =	ssyncset.done $0x0  }
0x64: {  	[sflag:s19] =	ssyncadd.s32 $0xFFFFF000  }
0x65: {  	_ =	swait.ge [sflag:s19], $0x1000  }
0x66: {  	[sflag:s19] =	ssyncset.done $0x0  }
0x67: {  	[sflag:s19] =	ssyncadd.s32 $0xFFFFF000  }
0x68: {  	_ =	swait.ge [sflag:s19], $0x1000  }
0x69: {  	[sflag:s19] =	ssyncset.done $0x0  }
0x6a: {  	[sflag:s19] =	ssyncadd.s32 $0xFFFFF000  }
0x6b: {  	_ =	swait.ge [sflag:s19], $0x1000  }
0x6c: {  	[sflag:s19] =	ssyncset.done $0x0  }
0x6d: {  	[sflag:s19] =	ssyncadd.s32 $0xFFFFF000  }
0x6e: {  	_ =	swait.ge [sflag:s19], $0x1000  }
0x6f: {  	(v2sf) =	vpush v18, $0x0;
	_ =	sdelay $0xb  }
0x70: {  	(v2sf) =	vpush v18, $0x1;
	_ =	sdelay $0x2  }
0x71: {  	s14 =	spop (v2sf)  }
0x72: {  	s12 =	sand.u32 $0x7F, s14  }
0x73: {  	s15 =	sadd.s32 $0xFFFFFFF1, s25;
	v19 =	vor.u32 s12, v0  }
0x74: {  	v20 =	vmov s15  }
0x75: {  	v21 =	vshll.u32 v20, $0x3  }
0x76: {  	v20 =	vand.u32 $0x70, v20;
	v21 =	vand.u32 $0xC00, v21;
	[sflag:s19] =	ssyncset.done $0x0  }
0x77: {  	v20 =	vor.u32 v20, v21;
	[sflag:s19] =	ssyncadd.s32 $0xFFFFF000  }
0x78: {  	v21 =	vor.u32 v1, v20;
	v19 =	vld.idx.msk [tilespmem:v19+s10+$0x0], $0xffff  }
0x79: {  	v22 =	vor.u32 s12, v2  }
0x7a: {  	(v2sf) =	vpush v18, $0x2;
	_ =	sdelay $0x2  }
0x7b: {  	s14 =	spop (v2sf);
	[tilespmem:v21+s20+$0x0] =	vst.idx.msk $0xffff, v19  }
0x7c: {  	v20 =	vor.u32 v3, v20;
	s12 =	sand.u32 $0x7F, s14;
	v19 =	vld.idx.msk [tilespmem:v22+s10+$0x0], $0xffff  }
0x7d: {  	s15 =	sadd.s32 $0xFFFFFFF2, s25;
	v33 =	vor.u32 s12, v4  }
0x7e: {  	v34 =	vmov s15  }
0x7f: {  	v23 =	vshll.u32 v34, $0x3  }
0x80: {  	v23 =	vand.u32 $0xC00, v23;
	v22 =	vand.u32 $0x71, v34  }
0x81: {  	[tilespmem:v20+s20+$0x0] =	vst.idx.msk $0xffff, v19;
	v19 =	vor.u32 v22, v23  }
0x82: {  	v20 =	vld.idx.msk [tilespmem:v33+s10+$0x0], $0xffff;
	v35 =	vor.u32 v1, v19  }
0x83: {  	v36 =	vor.u32 s12, v5  }
0x84: {  	(v2sf) =	vpush v18, $0x3;
	_ =	sdelay $0x2  }
0x85: {  	s14 =	spop (v2sf);
	[tilespmem:v35+s20+$0x0] =	vst.idx.msk $0xffff, v20  }
0x86: {  	s12 =	sand.u32 $0x7F, s14;
	v19 =	vor.u32 v3, v19;
	v20 =	vld.idx.msk [tilespmem:v36+s10+$0x0], $0xffff  }
0x87: {  	s15 =	sadd.s32 $0xFFFFFFF3, s25;
	v37 =	vor.u32 s12, v6  }
0x88: {  	v38 =	vmov s15  }
0x89: {  	v39 =	vshll.u32 v38, $0x3  }
0x8a: {  	v22 =	vand.u32 $0x72, v38;
	v23 =	vand.u32 $0xC00, v39  }
0x8b: {  	[tilespmem:v19+s20+$0x0] =	vst.idx.msk $0xffff, v20;
	v19 =	vor.u32 v22, v23  }
0x8c: {  	v20 =	vld.idx.msk [tilespmem:v37+s10+$0x0], $0xffff;
	v40 =	vor.u32 v1, v19  }
0x8d: {  	v41 =	vor.u32 s12, v7  }
0x8e: {  	(v2sf) =	vpush v18, $0x4;
	_ =	sdelay $0x2  }
0x8f: {  	s14 =	spop (v2sf);
	[tilespmem:v40+s20+$0x0] =	vst.idx.msk $0xffff, v20  }
0x90: {  	s12 =	sand.u32 $0x7F, s14;
	v19 =	vor.u32 v3, v19;
	v20 =	vld.idx.msk [tilespmem:v41+s10+$0x0], $0xffff  }
0x91: {  	s15 =	sadd.s32 $0xFFFFFFF4, s25;
	v42 =	vor.u32 s12, v8  }
0x92: {  	v43 =	vmov s15  }
0x93: {  	v44 =	vshll.u32 v43, $0x3  }
0x94: {  	v22 =	vand.u32 $0x73, v43;
	v23 =	vand.u32 $0xC00, v44  }
0x95: {  	[tilespmem:v19+s20+$0x0] =	vst.idx.msk $0xffff, v20;
	v19 =	vor.u32 v22, v23  }
0x96: {  	v20 =	vld.idx.msk [tilespmem:v42+s10+$0x0], $0xffff;
	v45 =	vor.u32 v1, v19  }
0x97: {  	v46 =	vor.u32 s12, v9  }
0x98: {  	(v2sf) =	vpush v18, $0x5;
	_ =	sdelay $0x2  }
0x99: {  	s14 =	spop (v2sf);
	[tilespmem:v45+s20+$0x0] =	vst.idx.msk $0xffff, v20  }
0x9a: {  	s12 =	sand.u32 $0x7F, s14;
	v19 =	vor.u32 v3, v19;
	v20 =	vld.idx.msk [tilespmem:v46+s10+$0x0], $0xffff  }
0x9b: {  	s15 =	sadd.s32 $0xFFFFFFF5, s25;
	v47 =	vor.u32 s12, v10  }
0x9c: {  	v48 =	vmov s15  }
0x9d: {  	v49 =	vshll.u32 v48, $0x3  }
0x9e: {  	v22 =	vand.u32 $0x74, v48;
	v23 =	vand.u32 $0xC00, v49  }
0x9f: {  	[tilespmem:v19+s20+$0x0] =	vst.idx.msk $0xffff, v20;
	v19 =	vor.u32 v22, v23  }
0xa0: {  	v20 =	vld.idx.msk [tilespmem:v47+s10+$0x0], $0xffff;
	v50 =	vor.u32 v1, v19  }
0xa1: {  	v51 =	vor.u32 s12, v11  }
0xa2: {  	(v2sf) =	vpush v18, $0x6;
	_ =	sdelay $0x2  }
0xa3: {  	s14 =	spop (v2sf);
	[tilespmem:v50+s20+$0x0] =	vst.idx.msk $0xffff, v20  }
0xa4: {  	s12 =	sand.u32 $0x7F, s14;
	v19 =	vor.u32 v3, v19;
	v20 =	vld.idx.msk [tilespmem:v51+s10+$0x0], $0xffff  }
0xa5: {  	s15 =	sadd.s32 $0xFFFFFFF6, s25;
	v52 =	vor.u32 s12, v12  }
0xa6: {  	v53 =	vmov s15  }
0xa7: {  	v54 =	vshll.u32 v53, $0x3  }
0xa8: {  	v22 =	vand.u32 $0x75, v53;
	v23 =	vand.u32 $0xC00, v54  }
0xa9: {  	[tilespmem:v19+s20+$0x0] =	vst.idx.msk $0xffff, v20;
	v19 =	vor.u32 v22, v23  }
0xaa: {  	v20 =	vld.idx.msk [tilespmem:v52+s10+$0x0], $0xffff;
	v55 =	vor.u32 v1, v19  }
0xab: {  	v56 =	vor.u32 s12, v13  }
0xac: {  	(v2sf) =	vpush v18, $0x7;
	_ =	sdelay $0x2  }
0xad: {  	s14 =	spop (v2sf);
	[tilespmem:v55+s20+$0x0] =	vst.idx.msk $0xffff, v20  }
0xae: {  	s12 =	sand.u32 $0x7F, s14;
	v19 =	vor.u32 v3, v19;
	v18 =	vld.idx.msk [tilespmem:v56+s10+$0x0], $0xffff  }
0xaf: {  	s15 =	sadd.s32 $0xFFFFFFF7, s25;
	v57 =	vor.u32 s12, v14  }
0xb0: {  	v58 =	vmov s15  }
0xb1: {  	v59 =	vshll.u32 v58, $0x3  }
0xb2: {  	v21 =	vand.u32 $0x76, v58;
	v22 =	vand.u32 $0xC00, v59  }
0xb3: {  	[tilespmem:v19+s20+$0x0] =	vst.idx.msk $0xffff, v18;
	v18 =	vor.u32 v21, v22  }
0xb4: {  	v19 =	vld.idx.msk [tilespmem:v57+s10+$0x0], $0xffff;
	v60 =	vor.u32 v1, v18  }
0xb5: {  	v61 =	vor.u32 s12, v15;
	_ =	sdelay $0x3  }
0xb6: {  	s14 =	spop (v2sf);
	[tilespmem:v60+s20+$0x0] =	vst.idx.msk $0xffff, v19  }
0xb7: {  	s12 =	sand.u32 $0x7F, s14;
	v18 =	vor.u32 v3, v18;
	v19 =	vld.idx.msk [tilespmem:v61+s10+$0x0], $0xffff  }
0xb8: {  	s15 =	sadd.s32 $0xFFFFFFF8, s25;
	v62 =	vor.u32 s12, v16  }
0xb9: {  	v63 =	vmov s15  }
0xba: {  	v24 =	vshll.u32 v63, $0x3  }
0xbb: {  	v21 =	vand.u32 $0x77, v63;
	v22 =	vand.u32 $0xC00, v24  }
0xbc: {  	[tilespmem:v18+s20+$0x0] =	vst.idx.msk $0xffff, v19;
	v18 =	vor.u32 v21, v22  }
0xbd: {  	v19 =	vld.idx.msk [tilespmem:v62+s10+$0x0], $0xffff;
	v25 =	vor.u32 v1, v18  }
0xbe: {  	v26 =	vor.u32 s12, v17;
	_ =	sdelay $0x3  }
0xbf: {  	[tilespmem:v25+s20+$0x0] =	vst.idx.msk $0xffff, v19  }
0xc0: {  	v18 =	vor.u32 v3, v18;
	v19 =	vld.idx.msk [tilespmem:v26+s10+$0x0], $0xffff;
	_ =	sdelay $0x4  }
0xc1: {  	p0 =	seq.s32 s25, $0x1FF;
	[tilespmem:v18+s20+$0x0] =	vst.idx.msk $0xffff, v19  }
0xc2: {  	v18 =	vld @!p0 [tilespmem:s26+$0x0];
	_ =	sdelay $0x4  }
0xc3: {  	(v2sf) =	vpush @!p0 v18, $0x0;
	_ =	sdelay $0x3  }
0xc4: {  	(v2sf) =	vpush @!p0 v18, $0x1;
	_ =	sdelay $0x3  }
0xc5: {  	(v2sf) =	vpush @!p0 v18, $0x2;
	_ =	sdelay $0x3  }
0xc6: {  	(v2sf) =	vpush @!p0 v18, $0x3;
	_ =	sdelay $0x2  }
0xc7: {  	s12 =	spop @!p0 (v2sf)  }
0xc8: {  	s13 =	simm.s32 @!p0 $0x400;
	(v2sf) =	vpush @!p0 v18, $0x4;
	s12 =	sand.u32 @!p0 $0xFFFFF80, s12  }
0xc9: {  	s15 =	simm.s32 @!p0 $0x200;
	s14 =	simm.s32 @!p0 $0x7A1400;
	s12 =	sadd.s32 @!p0 s0, s12  }
0xca: {  	[tilespmem:s15], [sflag:$0x1] =	stream.strided.gather @!p0 [hbm4b:s12+s13], $0x1000, s14, s13, $0x38;
	[tilespmem:$0x14200] =	vst v63  }
0xcb: {  	s12 =	spop @!p0 (v2sf)  }
0xcc: {  	(v2sf) =	vpush @!p0 v18, $0x5;
	s12 =	sand.u32 @!p0 $0xFFFFF80, s12  }
0xcd: {  	s15 =	simm.s32 @!p0 $0x1200;
	s12 =	sadd.s32 @!p0 s0, s12  }
0xce: {  	[tilespmem:s15], [sflag:$0x1] =	stream.strided.gather @!p0 [hbm4b:s12+s13], $0x1000, s14, s13, $0x38;
	[tilespmem:$0x14200] =	vst v63  }
0xcf: {  	s12 =	spop @!p0 (v2sf)  }
0xd0: {  	(v2sf) =	vpush @!p0 v18, $0x6;
	s12 =	sand.u32 @!p0 $0xFFFFF80, s12  }
0xd1: {  	s15 =	simm.s32 @!p0 $0x2200;
	s12 =	sadd.s32 @!p0 s0, s12  }
0xd2: {  	[tilespmem:s15], [sflag:$0x1] =	stream.strided.gather @!p0 [hbm4b:s12+s13], $0x1000, s14, s13, $0x38;
	[tilespmem:$0x14200] =	vst v63  }
0xd3: {  	s12 =	spop @!p0 (v2sf)  }
0xd4: {  	(v2sf) =	vpush @!p0 v18, $0x7;
	s12 =	sand.u32 @!p0 $0xFFFFF80, s12  }
0xd5: {  	s15 =	simm.s32 @!p0 $0x3200;
	s12 =	sadd.s32 @!p0 s0, s12  }
0xd6: {  	[tilespmem:s15], [sflag:$0x1] =	stream.strided.gather @!p0 [hbm4b:s12+s13], $0x1000, s14, s13, $0x38;
	[tilespmem:$0x14200] =	vst v63  }
0xd7: {  	s12 =	spop @!p0 (v2sf)  }
0xd8: {  	s12 =	sand.u32 @!p0 $0xFFFFF80, s12  }
0xd9: {  	s15 =	simm.s32 @!p0 $0x4200;
	s12 =	sadd.s32 @!p0 s0, s12  }
0xda: {  	[tilespmem:s15], [sflag:$0x1] =	stream.strided.gather @!p0 [hbm4b:s12+s13], $0x1000, s14, s13, $0x38;
	[tilespmem:$0x14200] =	vst v63  }
0xdb: {  	s12 =	spop @!p0 (v2sf)  }
0xdc: {  	s12 =	sand.u32 @!p0 $0xFFFFF80, s12  }
0xdd: {  	s15 =	simm.s32 @!p0 $0x5200;
	s12 =	sadd.s32 @!p0 s0, s12  }
0xde: {  	[tilespmem:s15], [sflag:$0x1] =	stream.strided.gather @!p0 [hbm4b:s12+s13], $0x1000, s14, s13, $0x38;
	[tilespmem:$0x14200] =	vst v63  }
0xdf: {  	s12 =	spop @!p0 (v2sf)  }
0xe0: {  	s12 =	sand.u32 @!p0 $0xFFFFF80, s12  }
0xe1: {  	s15 =	simm.s32 @!p0 $0x6200;
	s12 =	sadd.s32 @!p0 s0, s12  }
0xe2: {  	[tilespmem:s15], [sflag:$0x1] =	stream.strided.gather @!p0 [hbm4b:s12+s13], $0x1000, s14, s13, $0x38;
	[tilespmem:$0x14200] =	vst v63  }
0xe3: {  	s12 =	spop @!p0 (v2sf)  }
0xe4: {  	s12 =	sand.u32 @!p0 $0xFFFFF80, s12  }
0xe5: {  	s15 =	simm.s32 @!p0 $0x7200;
	s12 =	sadd.s32 @!p0 s0, s12  }
0xe6: {  	[tilespmem:s15], [sflag:$0x1] =	stream.strided.gather @!p0 [hbm4b:s12+s13], $0x1000, s14, s13, $0x38;
	[tilespmem:$0x14200] =	vst v63  }
0xe7: {  	_ =	swait.ge [sflag:s21], $0x1000  }
0xe8: {  	[sflag:s21] =	ssyncset.done $0x0  }
0xe9: {  	[sflag:s21] =	ssyncadd.s32 $0xFFFFF000  }
0xea: {  	_ =	swait.ge [sflag:s21], $0x1000  }
0xeb: {  	[sflag:s21] =	ssyncset.done $0x0  }
0xec: {  	[sflag:s21] =	ssyncadd.s32 $0xFFFFF000  }
0xed: {  	_ =	swait.ge [sflag:s21], $0x1000  }
0xee: {  	[sflag:s21] =	ssyncset.done $0x0  }
0xef: {  	[sflag:s21] =	ssyncadd.s32 $0xFFFFF000  }
0xf0: {  	_ =	swait.ge [sflag:s21], $0x1000  }
0xf1: {  	[sflag:s21] =	ssyncset.done $0x0  }
0xf2: {  	[sflag:s21] =	ssyncadd.s32 $0xFFFFF000  }
0xf3: {  	_ =	swait.ge [sflag:s21], $0x1000  }
0xf4: {  	[sflag:s21] =	ssyncset.done $0x0  }
0xf5: {  	[sflag:s21] =	ssyncadd.s32 $0xFFFFF000  }
0xf6: {  	_ =	swait.ge [sflag:s21], $0x1000  }
0xf7: {  	[sflag:s21] =	ssyncset.done $0x0  }
0xf8: {  	[sflag:s21] =	ssyncadd.s32 $0xFFFFF000  }
0xf9: {  	s11 =	sand.u32 $0x7F, s11;
	_ =	swait.ge [sflag:s21], $0x1000  }
0xfa: {  	v18 =	vor.u32 s11, v0;
	s13 =	sadd.s32 $0xFFFFFFF9, s25;
	[sflag:s21] =	ssyncset.done $0x0  }
0xfb: {  	v19 =	vmov s13;
	[sflag:s21] =	ssyncadd.s32 $0xFFFFF000  }
0xfc: {  	v27 =	vshll.u32 v19, $0x3;
	_ =	swait.ge [sflag:s21], $0x1000  }
0xfd: {  	v19 =	vand.u32 $0x78, v19;
	v20 =	vand.u32 $0xC00, v27;
	[sflag:s21] =	ssyncset.done $0x0  }
0xfe: {  	v19 =	vor.u32 v19, v20;
	[sflag:s21] =	ssyncadd.s32 $0xFFFFF000  }
0xff: {  	v20 =	vor.u32 v1, v19;
	v18 =	vld.idx.msk [tilespmem:v18+s18+$0x0], $0xffff  }
0x100: {  	v28 =	vor.u32 s11, v2;
	_ =	sdelay $0x3  }
0x101: {  	[tilespmem:v20+s20+$0x0] =	vst.idx.msk $0xffff, v18  }
0x102: {  	s3 =	sand.u32 $0x7F, s3;
	v19 =	vor.u32 v3, v19;
	v18 =	vld.idx.msk [tilespmem:v28+s18+$0x0], $0xffff  }
0x103: {  	v29 =	vor.u32 s3, v4;
	s14 =	sadd.s32 $0xFFFFFFFA, s25  }
0x104: {  	v30 =	vmov s14  }
0x105: {  	v31 =	vshll.u32 v30, $0x3  }
0x106: {  	v21 =	vand.u32 $0x79, v30;
	v22 =	vand.u32 $0xC00, v31  }
0x107: {  	[tilespmem:v19+s20+$0x0] =	vst.idx.msk $0xffff, v18;
	v18 =	vor.u32 v21, v22  }
0x108: {  	v19 =	vld.idx.msk [tilespmem:v29+s18+$0x0], $0xffff;
	v32 =	vor.u32 v1, v18  }
0x109: {  	v33 =	vor.u32 s3, v5;
	_ =	sdelay $0x3  }
0x10a: {  	[tilespmem:v32+s20+$0x0] =	vst.idx.msk $0xffff, v19  }
0x10b: {  	s2 =	sand.u32 $0x7F, s2;
	v18 =	vor.u32 v3, v18;
	v19 =	vld.idx.msk [tilespmem:v33+s18+$0x0], $0xffff  }
0x10c: {  	v34 =	vor.u32 s2, v6;
	s15 =	sadd.s32 $0xFFFFFFFB, s25  }
0x10d: {  	v35 =	vmov s15  }
0x10e: {  	v36 =	vshll.u32 v35, $0x3  }
0x10f: {  	v21 =	vand.u32 $0x7A, v35;
	v22 =	vand.u32 $0xC00, v36  }
0x110: {  	[tilespmem:v18+s20+$0x0] =	vst.idx.msk $0xffff, v19;
	v18 =	vor.u32 v21, v22  }
0x111: {  	v19 =	vld.idx.msk [tilespmem:v34+s18+$0x0], $0xffff;
	v37 =	vor.u32 v1, v18  }
0x112: {  	v38 =	vor.u32 s2, v7;
	_ =	sdelay $0x3  }
0x113: {  	[tilespmem:v37+s20+$0x0] =	vst.idx.msk $0xffff, v19  }
0x114: {  	s1 =	sand.u32 $0x7F, s1;
	v18 =	vor.u32 v3, v18;
	v19 =	vld.idx.msk [tilespmem:v38+s18+$0x0], $0xffff  }
0x115: {  	v39 =	vor.u32 s1, v8;
	s11 =	sadd.s32 $0xFFFFFFFC, s25  }
0x116: {  	v40 =	vmov s11  }
0x117: {  	v41 =	vshll.u32 v40, $0x3  }
0x118: {  	v21 =	vand.u32 $0x7B, v40;
	v22 =	vand.u32 $0xC00, v41  }
0x119: {  	[tilespmem:v18+s20+$0x0] =	vst.idx.msk $0xffff, v19;
	v18 =	vor.u32 v21, v22  }
0x11a: {  	v19 =	vld.idx.msk [tilespmem:v39+s18+$0x0], $0xffff;
	v42 =	vor.u32 v1, v18  }
0x11b: {  	v43 =	vor.u32 s1, v9;
	_ =	sdelay $0x3  }
0x11c: {  	[tilespmem:v42+s20+$0x0] =	vst.idx.msk $0xffff, v19  }
0x11d: {  	s12 =	sand.u32 $0x7F, s31;
	v18 =	vor.u32 v3, v18;
	v19 =	vld.idx.msk [tilespmem:v43+s18+$0x0], $0xffff  }
0x11e: {  	s13 =	sadd.s32 $0xFFFFFFFD, s25;
	v44 =	vor.u32 s12, v10  }
0x11f: {  	v45 =	vmov s13  }
0x120: {  	v46 =	vshll.u32 v45, $0x3  }
0x121: {  	v21 =	vand.u32 $0x7C, v45;
	v22 =	vand.u32 $0xC00, v46  }
0x122: {  	[tilespmem:v18+s20+$0x0] =	vst.idx.msk $0xffff, v19;
	v18 =	vor.u32 v21, v22  }
0x123: {  	v19 =	vld.idx.msk [tilespmem:v44+s18+$0x0], $0xffff;
	v47 =	vor.u32 v1, v18  }
0x124: {  	v48 =	vor.u32 s12, v11;
	_ =	sdelay $0x3  }
0x125: {  	[tilespmem:v47+s20+$0x0] =	vst.idx.msk $0xffff, v19  }
0x126: {  	s14 =	sand.u32 $0x7F, s30;
	v18 =	vor.u32 v3, v18;
	v19 =	vld.idx.msk [tilespmem:v48+s18+$0x0], $0xffff  }
0x127: {  	s15 =	sadd.s32 $0xFFFFFFFE, s25;
	v49 =	vor.u32 s14, v12  }
0x128: {  	v50 =	vmov s15  }
0x129: {  	v51 =	vshll.u32 v50, $0x3  }
0x12a: {  	v21 =	vand.u32 $0x7D, v50;
	v22 =	vand.u32 $0xC00, v51  }
0x12b: {  	[tilespmem:v18+s20+$0x0] =	vst.idx.msk $0xffff, v19;
	v18 =	vor.u32 v21, v22  }
0x12c: {  	v19 =	vld.idx.msk [tilespmem:v49+s18+$0x0], $0xffff;
	v52 =	vor.u32 v1, v18  }
0x12d: {  	v53 =	vor.u32 s14, v13;
	_ =	sdelay $0x3  }
0x12e: {  	[tilespmem:v52+s20+$0x0] =	vst.idx.msk $0xffff, v19  }
0x12f: {  	s29 =	sand.u32 $0x7F, s29;
	v18 =	vor.u32 v3, v18;
	v19 =	vld.idx.msk [tilespmem:v53+s18+$0x0], $0xffff  }
0x130: {  	v54 =	vor.u32 s29, v14;
	s30 =	sadd.s32 $0xFFFFFFFF, s25  }
0x131: {  	v55 =	vmov s30  }
0x132: {  	v56 =	vshll.u32 v55, $0x3  }
0x133: {  	v21 =	vand.u32 $0x7E, v55;
	v22 =	vand.u32 $0xC00, v56  }
0x134: {  	[tilespmem:v18+s20+$0x0] =	vst.idx.msk $0xffff, v19;
	v18 =	vor.u32 v21, v22  }
0x135: {  	v19 =	vld.idx.msk [tilespmem:v54+s18+$0x0], $0xffff;
	v57 =	vor.u32 v1, v18  }
0x136: {  	v58 =	vor.u32 s29, v15;
	_ =	sdelay $0x3  }
0x137: {  	[tilespmem:v57+s20+$0x0] =	vst.idx.msk $0xffff, v19  }
0x138: {  	s31 =	sand.u32 $0x7F, s28;
	v18 =	vor.u32 v3, v18;
	v19 =	vld.idx.msk [tilespmem:v58+s18+$0x0], $0xffff  }
0x139: {  	v59 =	vor.u32 s31, v16  }
0x13a: {  	v60 =	vmov s25  }
0x13b: {  	v61 =	vshll.u32 v60, $0x3  }
0x13c: {  	v21 =	vand.u32 $0x7F, v60;
	v22 =	vand.u32 $0xC00, v61  }
0x13d: {  	[tilespmem:v18+s20+$0x0] =	vst.idx.msk $0xffff, v19;
	v18 =	vor.u32 v21, v22  }
0x13e: {  	v19 =	vld.idx.msk [tilespmem:v59+s18+$0x0], $0xffff;
	v62 =	vor.u32 v1, v18  }
0x13f: {  	v63 =	vor.u32 s31, v17;
	_ =	sdelay $0x3  }
0x140: {  	s25 =	sadd.s32 $0x10, s25;
	[tilespmem:v62+s20+$0x0] =	vst.idx.msk $0xffff, v19  }
0x141: {  	p0 =	sne.s32 s25, $0x20F;
	v18 =	vor.u32 v3, v18;
	v19 =	vld.idx.msk [tilespmem:v63+s18+$0x0], $0xffff  }
.Ltmp0:
0x142: {  	_ = 	snop;
	(pc) =	sbr.rel @p0 .LBB2_2-.Ltmp0, $2  }
0x143: {  	_ =	sdelay $0x2  }
0x144: {  	s26 =	sadd.s32 $0x10, s26;
	[tilespmem:v18+s20+$0x0] =	vst.idx.msk $0xffff, v19  }
0x145: {  	s24 =	sadd.s32 $0x1, s24  }
0x146: {  	p0 =	sne.s32 s24, s6  }
.Ltmp1:
0x147: {  	_ = 	snop;
	(pc) =	sbr.rel @p0 .LBB2_1-.Ltmp1, $4  }
0x148: {  	[hbm4b:s5+s22] =	stream.strided.scatter [tilespmem:s20], [sflag:$0x3], $0x4000, s23, s22, $0x38;
	[tilespmem:$0x14200] =	vst v63  }
0x149: {  	_ =	swait.ge [sflag:s7], $0x4000  }
0x14a: {  	[sflag:s7] =	ssyncset.done $0x0  }
0x14b: {  	[sflag:s7] =	ssyncadd.s32 $0xFFFFC000  }
0x14c: {  	_ =	sfence.sel $0x180000  }
0x14d: {  	[bflag:$0x0] =	sbarrier.arrive $0xFFFF  }
0x14e: {  	_ =	strace $0x90000047  }
0x14f: {  	s0 =	stileid.u32;
	[bflag:$0x2] =	sbarrier.arrive $0xFFFF  }
0x150: {  	p0 =	sne.s32 s0, $0x0;
	s0 =	rddreg [dreg:$0x3]  }
0x151: {  	s0 =	sadd.s32 @!p0 $0x100000, s0  }
0x152: {  	[sflag:s0] =	ssyncadd.tile.s32 @!p0 $0x1;
	_ =	shalt  }
.Lfunc_end2:
_tile_overlayer_lowered:
.L_overlay_start_2:
0x153: {  	(tag) =	ssettag $0x2  }
0x154: {  	s0 =	rddreg [dreg:$0x0];
	s2 =	stileid.u32  }
0x155: {  	s1 =	rddreg [dreg:$0x1];
	p0 =	sne.s32 s2, $0x0  }
0x156: {  	s3 =	rddreg [dreg:$0x2];
	[bflag:$0x3] =	sbarrier.arrive $0xFFFF;
	s2 =	simm.s32 @!p0 $0x1C03  }
0x157: {  	[timem:s3], [sflag:s2] =	dma.local @!p0 [hbm:s0], s1  }
0x158: {  	s0 =	simm.s32 @!p0 $0x3  }
0x159: {  	_ =	swait.ge @!p0 [sflag:s0], s1  }
0x15a: {  	s1 =	ssub.s32 @!p0 $0x0, s1;
	[sflag:s0] =	ssyncset.done @!p0 $0x0  }
0x15b: {  	[sflag:s0] =	ssyncadd.s32 @!p0 s1  }
0x15c: {  	[bflag:$0x3] =	sbarrier.arrive $0xFFFF  }
0x15d: {  	_ =	shalt  }

</sc_bundles>
